<compile_context>
chip_gen: v7x
topology: tpu7x:2x2x1
jax: 0.10.2.dev20260603
libtpu: 0.0.44.dev20260713+nightly
codegen_flags: <defaults>
</compile_context>

<pallas_src>
import functools

import jax
import jax.numpy as jnp
from jax import lax
from jax.experimental import pallas as pl
from jax.experimental.pallas import tpu as pltpu
from jax.experimental.pallas import tpu_sc as plsc

N = 10000
D = 128
E = 320000

NC, NS = 2, 16
NW = NC * NS
L = 16
C = 128
EPT_CHUNKS = 79
EPT = EPT_CHUNKS * C
E_PAD = NW * EPT
N_PAD = 10240
RPT = N_PAD // NS
HR = N_PAD // 128

_mesh = plsc.VectorSubcoreMesh(
    core_axis_name="c", subcore_axis_name="s", num_cores=NC, num_subcores=NS)


@functools.partial(
    pl.kernel,
    out_type=jax.ShapeDtypeStruct((NW, HR, 128), jnp.float32),
    mesh=_mesh,
    compiler_params=pltpu.CompilerParams(needs_layout_passes=False),
    scratch_types=[
        pltpu.VMEM((EPT_CHUNKS, C), jnp.int32),
        pltpu.VMEM((HR, 128), jnp.float32),
    ],
)
def _deg_kernel(dst_hbm, deg_hbm, dst_v, hist):
    cid = lax.axis_index("c")
    sid = lax.axis_index("s")
    tid = cid * NS + sid
    pltpu.sync_copy(dst_hbm.at[tid], dst_v)

    zero = jnp.zeros((L,), jnp.float32)

    def zbody(i, carry):
        for k in range(128 // L):
            hist[i, pl.ds(k * L, L)] = zero
        return carry

    lax.fori_loop(0, HR, zbody, 0)

    ones = jnp.ones((L,), jnp.float32)

    def body(j, carry):
        for k in range(C // L):
            d = dst_v[j, pl.ds(k * L, L)]
            plsc.addupdate_scatter(hist, [d >> 7, d & 127], ones)
        return carry

    lax.fori_loop(0, EPT_CHUNKS, body, 0)
    pltpu.sync_copy(hist, deg_hbm.at[tid])


@functools.partial(
    pl.kernel,
    out_type=jax.ShapeDtypeStruct((NC, N_PAD, D), jnp.float32),
    mesh=_mesh,
    scratch_types=[
        pltpu.VMEM((EPT_CHUNKS, C), jnp.int32),
        pltpu.VMEM((EPT_CHUNKS, C), jnp.int32),
        pltpu.VMEM((C, D), jnp.float32),
        pltpu.VMEM_SHARED((N_PAD, D), jnp.float32),
        pltpu.SemaphoreType.DMA,
    ],
)
def _scatter_kernel(h2_hbm, src_hbm, dst_hbm, zeros_hbm, acc_hbm,
                    src_v, dst_v, buf_v, acc, sem):
    cid = lax.axis_index("c")
    sid = lax.axis_index("s")
    tid = cid * NS + sid
    pltpu.sync_copy(src_hbm.at[tid], src_v)
    pltpu.sync_copy(dst_hbm.at[tid], dst_v)

    pltpu.sync_copy(zeros_hbm, buf_v)
    for k in range(RPT // C):
        pltpu.sync_copy(buf_v, acc.at[pl.ds(sid * RPT + k * C, C)])
    plsc.subcore_barrier()

    def body(j, carry):
        pltpu.async_copy(h2_hbm.at[src_v.at[j]], buf_v, sem).wait()
        pltpu.sync_copy(buf_v, acc.at[dst_v.at[j]], add=True)
        return carry

    lax.fori_loop(0, EPT_CHUNKS, body, 0)
    plsc.subcore_barrier()
    for k in range(RPT // C):
        off = sid * RPT + k * C
        pltpu.sync_copy(acc.at[pl.ds(off, C)], buf_v)
        pltpu.sync_copy(buf_v, acc_hbm.at[cid].at[pl.ds(off, C)])


_BLK = 640


def _mm_body(x_ref, w_ref, deg_ref, h2_ref):
    deg = jnp.sum(deg_ref[:, :, 0], axis=0) + 1.0
    dis = lax.rsqrt(deg)
    h = jnp.dot(x_ref[...], w_ref[...], preferred_element_type=jnp.float32)
    h2_ref[...] = h * dis[:, None]


def _final_body(acc_ref, h2_ref, deg_ref, b_ref, out_ref):
    deg = jnp.sum(deg_ref[:, :, 0], axis=0) + 1.0
    dis = lax.rsqrt(deg)
    s = acc_ref[0] + acc_ref[1] + h2_ref[...]
    out_ref[...] = s * dis[:, None] + b_ref[...]


def _matmul_scale(x_pad, W, degf):
    return pl.pallas_call(
        _mm_body,
        grid=(N_PAD // _BLK,),
        in_specs=[
            pl.BlockSpec((_BLK, D), lambda i: (i, 0)),
            pl.BlockSpec((D, D), lambda i: (0, 0)),
            pl.BlockSpec((NW, _BLK, 1), lambda i: (0, i, 0)),
        ],
        out_specs=pl.BlockSpec((_BLK, D), lambda i: (i, 0)),
        out_shape=jax.ShapeDtypeStruct((N_PAD, D), jnp.float32),
    )(x_pad, W, degf)


def _combine(acc2, h2, degf, b2):
    return pl.pallas_call(
        _final_body,
        grid=(N_PAD // _BLK,),
        in_specs=[
            pl.BlockSpec((NC, _BLK, D), lambda i: (0, i, 0)),
            pl.BlockSpec((_BLK, D), lambda i: (i, 0)),
            pl.BlockSpec((NW, _BLK, 1), lambda i: (0, i, 0)),
            pl.BlockSpec((1, D), lambda i: (0, 0)),
        ],
        out_specs=pl.BlockSpec((_BLK, D), lambda i: (i, 0)),
        out_shape=jax.ShapeDtypeStruct((N_PAD, D), jnp.float32),
    )(acc2, h2, degf, b2)


def kernel(x, edge_index, W, b):
    src = edge_index[0]
    dst = edge_index[1]
    pad = E_PAD - E
    srcr = jnp.concatenate(
        [src, jnp.zeros((pad,), jnp.int32)]).reshape(NW, EPT_CHUNKS, C)
    dstp = jnp.concatenate([dst, jnp.full((pad,), N, jnp.int32)])
    dstr = dstp.reshape(NW, EPT_CHUNKS, C)
    zeros_row = jnp.zeros((C, D), jnp.float32)
    x_pad = jnp.concatenate([x, jnp.zeros((N_PAD - N, D), jnp.float32)])

    deg = _deg_kernel(dstr)
    degf = deg.reshape(NW, N_PAD, 1)
    h2 = _matmul_scale(x_pad, W, degf)
    acc2 = _scatter_kernel(h2, srcr, dstr, zeros_row)
    out = _combine(acc2, h2, degf, b.reshape(1, D))
    return out[:N]

# --- scband reference (transcript-rebuilt; emitter-appended) ---
"""Pipeline reference for scband-graph-conv-45552423141527 (READ-ONLY COPY).

The authoritative reference and input builder live on the scoring server;
editing this copy changes nothing except your own understanding.
"""

import jax, jax.numpy as jnp
import numpy as np

N = 10000
E = 320000
D_IN = 128
D_OUT = 128

def setup_inputs(seed: int = 0) -> dict:
    key = jax.random.key(seed)
    k1, k2, k3 = jax.random.split(key, 3)
    x = jax.random.normal(k1, (N, D_IN), dtype=jnp.float32)
    edge_index = jax.random.randint(k2, (2, E), 0, N, dtype=jnp.int32)
    # GCNConv linear weight (glorot-like init), bias zeros (PyG default)
    W = jax.random.normal(k3, (D_IN, D_OUT), dtype=jnp.float32) * (1.0 / np.sqrt(D_IN))
    b = jnp.zeros((D_OUT,), dtype=jnp.float32)
    return {"x": x, "edge_index": edge_index, "W": W, "b": b}

def reference(x, edge_index, W, b):
    # GCNConv: x' = D^{-1/2} (A + I) D^{-1/2} (x W) + b, with added self-loops
    h = x @ W
    src = edge_index[0]
    dst = edge_index[1]
    loop = jnp.arange(N, dtype=edge_index.dtype)
    src = jnp.concatenate([src, loop])
    dst = jnp.concatenate([dst, loop])
    ones = jnp.ones(src.shape[0], dtype=x.dtype)
    deg = jnp.zeros((N,), dtype=x.dtype).at[dst].add(ones)
    deg_inv_sqrt = jnp.where(deg > 0, jax.lax.rsqrt(jnp.maximum(deg, 1e-12)), 0.0)
    norm = deg_inv_sqrt[src] * deg_inv_sqrt[dst]
    msg = h[src] * norm[:, None]
    out = jnp.zeros((N, D_OUT), dtype=x.dtype).at[dst].add(msg)
    return out + b

if __name__ == "__main__":
    import jax
    _d = setup_inputs()
    print(jax.jit(kernel)(*tuple(_d.values())))

</pallas_src>

<mosaic_0001>
#map = affine_map<(d0, d1) -> (0, 0)>
#map1 = affine_map<(d0, d1) -> (0, 0, 0)>
module attributes {stable_mosaic.version = 14 : i64} {
  func.func @_scatter_kernel(%arg0: i32, %arg1: i32, %arg2: memref<10240x128xf32, #tpu.memory_space<hbm>>, %arg3: memref<32x79x128xi32, #tpu.memory_space<hbm>>, %arg4: memref<32x79x128xi32, #tpu.memory_space<hbm>>, %arg5: memref<128x128xf32, #tpu.memory_space<hbm>>, %arg6: memref<2x10240x128xf32, #tpu.memory_space<hbm>>, %arg7: memref<79x128xi32, #tpu.memory_space<vmem>>, %arg8: memref<79x128xi32, #tpu.memory_space<vmem>>, %arg9: memref<128x128xf32, #tpu.memory_space<vmem>>, %arg10: memref<10240x128xf32, #tpu.memory_space<vmem_shared>>, %arg11: memref<!tpu.dma_semaphore, #tpu.memory_space<semaphore_mem>>) attributes {dimension_semantics = [#tpu.dimension_semantics<core_parallel>, #tpu.dimension_semantics<subcore_parallel>], iteration_bounds = array<i64: 2, 16>, scalar_prefetch = 0 : i64, scratch_operands = 5 : i64, tpu.core_type = #tpu.core_type<sc_vector_subcore>, window_params = [{transform_indices = #map}, {transform_indices = #map1}, {transform_indices = #map1}, {transform_indices = #map}, {transform_indices = #map1}]} {
    %mul3A = arith.constant 16 : i32
    %mul3A_0 = arith.muli %arg0, %mul3A : i32
    %add3A = arith.addi %mul3A_0, %arg1 : i32
    "tpu.region"() ({
      %run_scoped3A = tpu.sem_alloc : memref<!tpu.dma_semaphore, #tpu.memory_space<semaphore_mem>>
      %dma_start3A = arith.constant 0 : i32
      %dma_start3A_47 = arith.constant 0 : i32
      %dma_start3A_48 = tpu.memref_slice %arg3[%add3A, %dma_start3A, %dma_start3A_47] : memref<32x79x128xi32, #tpu.memory_space<hbm>> -> memref<1x79x128xi32, #tpu.memory_space<hbm>>
      %dma_start3A_49 = tpu.memref_squeeze %dma_start3A_48 : memref<1x79x128xi32, #tpu.memory_space<hbm>> -> memref<79x128xi32, #tpu.memory_space<hbm>>
      %dma_start3A_50 = arith.constant 0 : i32
      %dma_start3A_51 = arith.constant 0 : i32
      %dma_start3A_52 = tpu.memref_slice %arg3[%add3A, %dma_start3A_50, %dma_start3A_51] : memref<32x79x128xi32, #tpu.memory_space<hbm>> -> memref<1x79x128xi32, #tpu.memory_space<hbm>>
      %dma_start3A_53 = tpu.memref_squeeze %dma_start3A_52 : memref<1x79x128xi32, #tpu.memory_space<hbm>> -> memref<79x128xi32, #tpu.memory_space<hbm>>
      tpu.enqueue_dma source(%dma_start3A_53 : memref<79x128xi32, #tpu.memory_space<hbm>>) target(%arg7 : memref<79x128xi32, #tpu.memory_space<vmem>>) target_semaphore(%run_scoped3A : memref<!tpu.dma_semaphore, #tpu.memory_space<semaphore_mem>>)
      %dma_wait3A = arith.constant 0 : i32
      %dma_wait3A_54 = arith.constant 0 : i32
      %dma_wait3A_55 = tpu.memref_slice %arg3[%add3A, %dma_wait3A, %dma_wait3A_54] : memref<32x79x128xi32, #tpu.memory_space<hbm>> -> memref<1x79x128xi32, #tpu.memory_space<hbm>>
      %dma_wait3A_56 = tpu.memref_squeeze %dma_wait3A_55 : memref<1x79x128xi32, #tpu.memory_space<hbm>> -> memref<79x128xi32, #tpu.memory_space<hbm>>
      %dma_wait3A_57 = arith.constant 0 : i32
      %dma_wait3A_58 = arith.constant 0 : i32
      %dma_wait3A_59 = tpu.memref_slice %arg3[%add3A, %dma_wait3A_57, %dma_wait3A_58] : memref<32x79x128xi32, #tpu.memory_space<hbm>> -> memref<1x79x128xi32, #tpu.memory_space<hbm>>
      %dma_wait3A_60 = tpu.memref_squeeze %dma_wait3A_59 : memref<1x79x128xi32, #tpu.memory_space<hbm>> -> memref<79x128xi32, #tpu.memory_space<hbm>>
      tpu.wait_dma2 semaphore(%run_scoped3A : memref<!tpu.dma_semaphore, #tpu.memory_space<semaphore_mem>>) src(%dma_wait3A_60 : memref<79x128xi32, #tpu.memory_space<hbm>>) dst(%arg7 : memref<79x128xi32, #tpu.memory_space<vmem>>)
      tpu.yield
    }) : () -> ()
    "tpu.region"() ({
      %run_scoped3A = tpu.sem_alloc : memref<!tpu.dma_semaphore, #tpu.memory_space<semaphore_mem>>
      %dma_start3A = arith.constant 0 : i32
      %dma_start3A_47 = arith.constant 0 : i32
      %dma_start3A_48 = tpu.memref_slice %arg4[%add3A, %dma_start3A, %dma_start3A_47] : memref<32x79x128xi32, #tpu.memory_space<hbm>> -> memref<1x79x128xi32, #tpu.memory_space<hbm>>
      %dma_start3A_49 = tpu.memref_squeeze %dma_start3A_48 : memref<1x79x128xi32, #tpu.memory_space<hbm>> -> memref<79x128xi32, #tpu.memory_space<hbm>>
      %dma_start3A_50 = arith.constant 0 : i32
      %dma_start3A_51 = arith.constant 0 : i32
      %dma_start3A_52 = tpu.memref_slice %arg4[%add3A, %dma_start3A_50, %dma_start3A_51] : memref<32x79x128xi32, #tpu.memory_space<hbm>> -> memref<1x79x128xi32, #tpu.memory_space<hbm>>
      %dma_start3A_53 = tpu.memref_squeeze %dma_start3A_52 : memref<1x79x128xi32, #tpu.memory_space<hbm>> -> memref<79x128xi32, #tpu.memory_space<hbm>>
      tpu.enqueue_dma source(%dma_start3A_53 : memref<79x128xi32, #tpu.memory_space<hbm>>) target(%arg8 : memref<79x128xi32, #tpu.memory_space<vmem>>) target_semaphore(%run_scoped3A : memref<!tpu.dma_semaphore, #tpu.memory_space<semaphore_mem>>)
      %dma_wait3A = arith.constant 0 : i32
      %dma_wait3A_54 = arith.constant 0 : i32
      %dma_wait3A_55 = tpu.memref_slice %arg4[%add3A, %dma_wait3A, %dma_wait3A_54] : memref<32x79x128xi32, #tpu.memory_space<hbm>> -> memref<1x79x128xi32, #tpu.memory_space<hbm>>
      %dma_wait3A_56 = tpu.memref_squeeze %dma_wait3A_55 : memref<1x79x128xi32, #tpu.memory_space<hbm>> -> memref<79x128xi32, #tpu.memory_space<hbm>>
      %dma_wait3A_57 = arith.constant 0 : i32
      %dma_wait3A_58 = arith.constant 0 : i32
      %dma_wait3A_59 = tpu.memref_slice %arg4[%add3A, %dma_wait3A_57, %dma_wait3A_58] : memref<32x79x128xi32, #tpu.memory_space<hbm>> -> memref<1x79x128xi32, #tpu.memory_space<hbm>>
      %dma_wait3A_60 = tpu.memref_squeeze %dma_wait3A_59 : memref<1x79x128xi32, #tpu.memory_space<hbm>> -> memref<79x128xi32, #tpu.memory_space<hbm>>
      tpu.wait_dma2 semaphore(%run_scoped3A : memref<!tpu.dma_semaphore, #tpu.memory_space<semaphore_mem>>) src(%dma_wait3A_60 : memref<79x128xi32, #tpu.memory_space<hbm>>) dst(%arg8 : memref<79x128xi32, #tpu.memory_space<vmem>>)
      tpu.yield
    }) : () -> ()
    "tpu.region"() ({
      %run_scoped3A = tpu.sem_alloc : memref<!tpu.dma_semaphore, #tpu.memory_space<semaphore_mem>>
      tpu.enqueue_dma source(%arg5 : memref<128x128xf32, #tpu.memory_space<hbm>>) target(%arg9 : memref<128x128xf32, #tpu.memory_space<vmem>>) target_semaphore(%run_scoped3A : memref<!tpu.dma_semaphore, #tpu.memory_space<semaphore_mem>>)
      tpu.wait_dma2 semaphore(%run_scoped3A : memref<!tpu.dma_semaphore, #tpu.memory_space<semaphore_mem>>) src(%arg5 : memref<128x128xf32, #tpu.memory_space<hbm>>) dst(%arg9 : memref<128x128xf32, #tpu.memory_space<vmem>>)
      tpu.yield
    }) : () -> ()
    %mul3A_1 = arith.constant 640 : i32
    %mul3A_2 = arith.muli %arg1, %mul3A_1 : i32
    %add3A_3 = arith.constant 0 : i32
    %add3A_4 = arith.addi %mul3A_2, %add3A_3 : i32
    "tpu.region"() ({
      %run_scoped3A = tpu.sem_alloc : memref<!tpu.dma_semaphore, #tpu.memory_space<semaphore_mem>>
      %dma_start3A = arith.constant 0 : i32
      %dma_start3A_47 = tpu.memref_slice %arg10[%add3A_4, %dma_start3A] : memref<10240x128xf32, #tpu.memory_space<vmem_shared>> -> memref<128x128xf32, #tpu.memory_space<vmem_shared>>
      %dma_start3A_48 = arith.constant 0 : i32
      %dma_start3A_49 = tpu.memref_slice %arg10[%add3A_4, %dma_start3A_48] : memref<10240x128xf32, #tpu.memory_space<vmem_shared>> -> memref<128x128xf32, #tpu.memory_space<vmem_shared>>
      tpu.enqueue_dma source(%arg9 : memref<128x128xf32, #tpu.memory_space<vmem>>) target(%dma_start3A_49 : memref<128x128xf32, #tpu.memory_space<vmem_shared>>) target_semaphore(%run_scoped3A : memref<!tpu.dma_semaphore, #tpu.memory_space<semaphore_mem>>)
      %dma_wait3A = arith.constant 0 : i32
      %dma_wait3A_50 = tpu.memref_slice %arg10[%add3A_4, %dma_wait3A] : memref<10240x128xf32, #tpu.memory_space<vmem_shared>> -> memref<128x128xf32, #tpu.memory_space<vmem_shared>>
      %dma_wait3A_51 = arith.constant 0 : i32
      %dma_wait3A_52 = tpu.memref_slice %arg10[%add3A_4, %dma_wait3A_51] : memref<10240x128xf32, #tpu.memory_space<vmem_shared>> -> memref<128x128xf32, #tpu.memory_space<vmem_shared>>
      tpu.wait_dma2 semaphore(%run_scoped3A : memref<!tpu.dma_semaphore, #tpu.memory_space<semaphore_mem>>) src(%arg9 : memref<128x128xf32, #tpu.memory_space<vmem>>) dst(%dma_wait3A_52 : memref<128x128xf32, #tpu.memory_space<vmem_shared>>)
      tpu.yield
    }) : () -> ()
    %mul3A_5 = arith.constant 640 : i32
    %mul3A_6 = arith.muli %arg1, %mul3A_5 : i32
    %add3A_7 = arith.constant 128 : i32
    %add3A_8 = arith.addi %mul3A_6, %add3A_7 : i32
    "tpu.region"() ({
      %run_scoped3A = tpu.sem_alloc : memref<!tpu.dma_semaphore, #tpu.memory_space<semaphore_mem>>
      %dma_start3A = arith.constant 0 : i32
      %dma_start3A_47 = tpu.memref_slice %arg10[%add3A_8, %dma_start3A] : memref<10240x128xf32, #tpu.memory_space<vmem_shared>> -> memref<128x128xf32, #tpu.memory_space<vmem_shared>>
      %dma_start3A_48 = arith.constant 0 : i32
      %dma_start3A_49 = tpu.memref_slice %arg10[%add3A_8, %dma_start3A_48] : memref<10240x128xf32, #tpu.memory_space<vmem_shared>> -> memref<128x128xf32, #tpu.memory_space<vmem_shared>>
      tpu.enqueue_dma source(%arg9 : memref<128x128xf32, #tpu.memory_space<vmem>>) target(%dma_start3A_49 : memref<128x128xf32, #tpu.memory_space<vmem_shared>>) target_semaphore(%run_scoped3A : memref<!tpu.dma_semaphore, #tpu.memory_space<semaphore_mem>>)
      %dma_wait3A = arith.constant 0 : i32
      %dma_wait3A_50 = tpu.memref_slice %arg10[%add3A_8, %dma_wait3A] : memref<10240x128xf32, #tpu.memory_space<vmem_shared>> -> memref<128x128xf32, #tpu.memory_space<vmem_shared>>
      %dma_wait3A_51 = arith.constant 0 : i32
      %dma_wait3A_52 = tpu.memref_slice %arg10[%add3A_8, %dma_wait3A_51] : memref<10240x128xf32, #tpu.memory_space<vmem_shared>> -> memref<128x128xf32, #tpu.memory_space<vmem_shared>>
      tpu.wait_dma2 semaphore(%run_scoped3A : memref<!tpu.dma_semaphore, #tpu.memory_space<semaphore_mem>>) src(%arg9 : memref<128x128xf32, #tpu.memory_space<vmem>>) dst(%dma_wait3A_52 : memref<128x128xf32, #tpu.memory_space<vmem_shared>>)
      tpu.yield
    }) : () -> ()
    %mul3A_9 = arith.constant 640 : i32
    %mul3A_10 = arith.muli %arg1, %mul3A_9 : i32
    %add3A_11 = arith.constant 256 : i32
    %add3A_12 = arith.addi %mul3A_10, %add3A_11 : i32
    "tpu.region"() ({
      %run_scoped3A = tpu.sem_alloc : memref<!tpu.dma_semaphore, #tpu.memory_space<semaphore_mem>>
      %dma_start3A = arith.constant 0 : i32
      %dma_start3A_47 = tpu.memref_slice %arg10[%add3A_12, %dma_start3A] : memref<10240x128xf32, #tpu.memory_space<vmem_shared>> -> memref<128x128xf32, #tpu.memory_space<vmem_shared>>
      %dma_start3A_48 = arith.constant 0 : i32
      %dma_start3A_49 = tpu.memref_slice %arg10[%add3A_12, %dma_start3A_48] : memref<10240x128xf32, #tpu.memory_space<vmem_shared>> -> memref<128x128xf32, #tpu.memory_space<vmem_shared>>
      tpu.enqueue_dma source(%arg9 : memref<128x128xf32, #tpu.memory_space<vmem>>) target(%dma_start3A_49 : memref<128x128xf32, #tpu.memory_space<vmem_shared>>) target_semaphore(%run_scoped3A : memref<!tpu.dma_semaphore, #tpu.memory_space<semaphore_mem>>)
      %dma_wait3A = arith.constant 0 : i32
      %dma_wait3A_50 = tpu.memref_slice %arg10[%add3A_12, %dma_wait3A] : memref<10240x128xf32, #tpu.memory_space<vmem_shared>> -> memref<128x128xf32, #tpu.memory_space<vmem_shared>>
      %dma_wait3A_51 = arith.constant 0 : i32
      %dma_wait3A_52 = tpu.memref_slice %arg10[%add3A_12, %dma_wait3A_51] : memref<10240x128xf32, #tpu.memory_space<vmem_shared>> -> memref<128x128xf32, #tpu.memory_space<vmem_shared>>
      tpu.wait_dma2 semaphore(%run_scoped3A : memref<!tpu.dma_semaphore, #tpu.memory_space<semaphore_mem>>) src(%arg9 : memref<128x128xf32, #tpu.memory_space<vmem>>) dst(%dma_wait3A_52 : memref<128x128xf32, #tpu.memory_space<vmem_shared>>)
      tpu.yield
    }) : () -> ()
    %mul3A_13 = arith.constant 640 : i32
    %mul3A_14 = arith.muli %arg1, %mul3A_13 : i32
    %add3A_15 = arith.constant 384 : i32
    %add3A_16 = arith.addi %mul3A_14, %add3A_15 : i32
    "tpu.region"() ({
      %run_scoped3A = tpu.sem_alloc : memref<!tpu.dma_semaphore, #tpu.memory_space<semaphore_mem>>
      %dma_start3A = arith.constant 0 : i32
      %dma_start3A_47 = tpu.memref_slice %arg10[%add3A_16, %dma_start3A] : memref<10240x128xf32, #tpu.memory_space<vmem_shared>> -> memref<128x128xf32, #tpu.memory_space<vmem_shared>>
      %dma_start3A_48 = arith.constant 0 : i32
      %dma_start3A_49 = tpu.memref_slice %arg10[%add3A_16, %dma_start3A_48] : memref<10240x128xf32, #tpu.memory_space<vmem_shared>> -> memref<128x128xf32, #tpu.memory_space<vmem_shared>>
      tpu.enqueue_dma source(%arg9 : memref<128x128xf32, #tpu.memory_space<vmem>>) target(%dma_start3A_49 : memref<128x128xf32, #tpu.memory_space<vmem_shared>>) target_semaphore(%run_scoped3A : memref<!tpu.dma_semaphore, #tpu.memory_space<semaphore_mem>>)
      %dma_wait3A = arith.constant 0 : i32
      %dma_wait3A_50 = tpu.memref_slice %arg10[%add3A_16, %dma_wait3A] : memref<10240x128xf32, #tpu.memory_space<vmem_shared>> -> memref<128x128xf32, #tpu.memory_space<vmem_shared>>
      %dma_wait3A_51 = arith.constant 0 : i32
      %dma_wait3A_52 = tpu.memref_slice %arg10[%add3A_16, %dma_wait3A_51] : memref<10240x128xf32, #tpu.memory_space<vmem_shared>> -> memref<128x128xf32, #tpu.memory_space<vmem_shared>>
      tpu.wait_dma2 semaphore(%run_scoped3A : memref<!tpu.dma_semaphore, #tpu.memory_space<semaphore_mem>>) src(%arg9 : memref<128x128xf32, #tpu.memory_space<vmem>>) dst(%dma_wait3A_52 : memref<128x128xf32, #tpu.memory_space<vmem_shared>>)
      tpu.yield
    }) : () -> ()
    %mul3A_17 = arith.constant 640 : i32
    %mul3A_18 = arith.muli %arg1, %mul3A_17 : i32
    %add3A_19 = arith.constant 512 : i32
    %add3A_20 = arith.addi %mul3A_18, %add3A_19 : i32
    "tpu.region"() ({
      %run_scoped3A = tpu.sem_alloc : memref<!tpu.dma_semaphore, #tpu.memory_space<semaphore_mem>>
      %dma_start3A = arith.constant 0 : i32
      %dma_start3A_47 = tpu.memref_slice %arg10[%add3A_20, %dma_start3A] : memref<10240x128xf32, #tpu.memory_space<vmem_shared>> -> memref<128x128xf32, #tpu.memory_space<vmem_shared>>
      %dma_start3A_48 = arith.constant 0 : i32
      %dma_start3A_49 = tpu.memref_slice %arg10[%add3A_20, %dma_start3A_48] : memref<10240x128xf32, #tpu.memory_space<vmem_shared>> -> memref<128x128xf32, #tpu.memory_space<vmem_shared>>
      tpu.enqueue_dma source(%arg9 : memref<128x128xf32, #tpu.memory_space<vmem>>) target(%dma_start3A_49 : memref<128x128xf32, #tpu.memory_space<vmem_shared>>) target_semaphore(%run_scoped3A : memref<!tpu.dma_semaphore, #tpu.memory_space<semaphore_mem>>)
      %dma_wait3A = arith.constant 0 : i32
      %dma_wait3A_50 = tpu.memref_slice %arg10[%add3A_20, %dma_wait3A] : memref<10240x128xf32, #tpu.memory_space<vmem_shared>> -> memref<128x128xf32, #tpu.memory_space<vmem_shared>>
      %dma_wait3A_51 = arith.constant 0 : i32
      %dma_wait3A_52 = tpu.memref_slice %arg10[%add3A_20, %dma_wait3A_51] : memref<10240x128xf32, #tpu.memory_space<vmem_shared>> -> memref<128x128xf32, #tpu.memory_space<vmem_shared>>
      tpu.wait_dma2 semaphore(%run_scoped3A : memref<!tpu.dma_semaphore, #tpu.memory_space<semaphore_mem>>) src(%arg9 : memref<128x128xf32, #tpu.memory_space<vmem>>) dst(%dma_wait3A_52 : memref<128x128xf32, #tpu.memory_space<vmem_shared>>)
      tpu.yield
    }) : () -> ()
    %barrier3A = arith.constant 0 : index
    tpu.barrier barrier_id(%barrier3A)
    %scan3A = arith.constant 0 : i32
    %scan3A_21 = arith.constant 0 : i32
    %scan3A_22 = arith.constant 79 : i32
    %scan3A_23 = arith.addi %scan3A_21, %scan3A_22 : i32
    %scan3A_24 = arith.constant 1 : i32
    scf.for %scan3A_47 = %scan3A_21 to %scan3A_23 step %scan3A_24  : i32 {
      %dma_start3A = arith.constant 0 : i32
      %dma_start3A_48 = tpu.memref_slice %arg7[%scan3A_47, %dma_start3A] : memref<79x128xi32, #tpu.memory_space<vmem>> -> memref<1x128xi32, #tpu.memory_space<vmem>>
      %dma_start3A_49 = tpu.memref_squeeze %dma_start3A_48 : memref<1x128xi32, #tpu.memory_space<vmem>> -> memref<128xi32, #tpu.memory_space<vmem>>
      %dma_start3A_50 = arith.constant 0 : i32
      %dma_start3A_51 = arith.constant 0 : i32
      %dma_start3A_52 = tpu.memref_slice %arg2[%dma_start3A_50, %dma_start3A_51] : memref<10240x128xf32, #tpu.memory_space<hbm>> -> memref<10240x128xf32, #tpu.memory_space<hbm>>
      tpu.enqueue_indirect_dma source(%dma_start3A_52 : memref<10240x128xf32, #tpu.memory_space<hbm>>) target(%arg9 : memref<128x128xf32, #tpu.memory_space<vmem>>) offsets(%dma_start3A_49 : memref<128xi32, #tpu.memory_space<vmem>>) semaphore(%arg11 : memref<!tpu.dma_semaphore, #tpu.memory_space<semaphore_mem>>)
      %dma_wait3A = arith.constant 0 : i32
      %dma_wait3A_53 = tpu.memref_slice %arg7[%scan3A_47, %dma_wait3A] : memref<79x128xi32, #tpu.memory_space<vmem>> -> memref<1x128xi32, #tpu.memory_space<vmem>>
      %dma_wait3A_54 = tpu.memref_squeeze %dma_wait3A_53 : memref<1x128xi32, #tpu.memory_space<vmem>> -> memref<128xi32, #tpu.memory_space<vmem>>
      %dma_wait3A_55 = arith.constant 0 : i32
      %dma_wait3A_56 = arith.constant 0 : i32
      %dma_wait3A_57 = tpu.memref_slice %arg2[%dma_wait3A_55, %dma_wait3A_56] : memref<10240x128xf32, #tpu.memory_space<hbm>> -> memref<10240x128xf32, #tpu.memory_space<hbm>>
      tpu.wait_indirect_dma semaphore(%arg11 : memref<!tpu.dma_semaphore, #tpu.memory_space<semaphore_mem>>) src(%dma_wait3A_57 : memref<10240x128xf32, #tpu.memory_space<hbm>>) dst(%arg9 : memref<128x128xf32, #tpu.memory_space<vmem>>)
      "tpu.region"() ({
        %run_scoped3A = tpu.sem_alloc : memref<!tpu.dma_semaphore, #tpu.memory_space<semaphore_mem>>
        %dma_start3A_58 = arith.constant 0 : i32
        %dma_start3A_59 = tpu.memref_slice %arg8[%scan3A_47, %dma_start3A_58] : memref<79x128xi32, #tpu.memory_space<vmem>> -> memref<1x128xi32, #tpu.memory_space<vmem>>
        %dma_start3A_60 = tpu.memref_squeeze %dma_start3A_59 : memref<1x128xi32, #tpu.memory_space<vmem>> -> memref<128xi32, #tpu.memory_space<vmem>>
        %dma_start3A_61 = arith.constant 0 : i32
        %dma_start3A_62 = arith.constant 0 : i32
        %dma_start3A_63 = tpu.memref_slice %arg10[%dma_start3A_61, %dma_start3A_62] : memref<10240x128xf32, #tpu.memory_space<vmem_shared>> -> memref<10240x128xf32, #tpu.memory_space<vmem_shared>>
        tpu.enqueue_indirect_dma source(%arg9 : memref<128x128xf32, #tpu.memory_space<vmem>>) target(%dma_start3A_63 : memref<10240x128xf32, #tpu.memory_space<vmem_shared>>) offsets(%dma_start3A_60 : memref<128xi32, #tpu.memory_space<vmem>>) semaphore(%run_scoped3A : memref<!tpu.dma_semaphore, #tpu.memory_space<semaphore_mem>>) {add = true}
        %dma_wait3A_64 = arith.constant 0 : i32
        %dma_wait3A_65 = tpu.memref_slice %arg8[%scan3A_47, %dma_wait3A_64] : memref<79x128xi32, #tpu.memory_space<vmem>> -> memref<1x128xi32, #tpu.memory_space<vmem>>
        %dma_wait3A_66 = tpu.memref_squeeze %dma_wait3A_65 : memref<1x128xi32, #tpu.memory_space<vmem>> -> memref<128xi32, #tpu.memory_space<vmem>>
        %dma_wait3A_67 = arith.constant 0 : i32
        %dma_wait3A_68 = arith.constant 0 : i32
        %dma_wait3A_69 = tpu.memref_slice %arg10[%dma_wait3A_67, %dma_wait3A_68] : memref<10240x128xf32, #tpu.memory_space<vmem_shared>> -> memref<10240x128xf32, #tpu.memory_space<vmem_shared>>
        tpu.wait_indirect_dma semaphore(%run_scoped3A : memref<!tpu.dma_semaphore, #tpu.memory_space<semaphore_mem>>) src(%arg9 : memref<128x128xf32, #tpu.memory_space<vmem>>) dst(%dma_wait3A_69 : memref<10240x128xf32, #tpu.memory_space<vmem_shared>>)
        tpu.yield
      }) : () -> ()
    }
    %scan3A_25 = arith.constant 79 : i32
    %barrier3A_26 = arith.constant 0 : index
    tpu.barrier barrier_id(%barrier3A_26)
    %mul3A_27 = arith.constant 640 : i32
    %mul3A_28 = arith.muli %arg1, %mul3A_27 : i32
    %add3A_29 = arith.constant 0 : i32
    %add3A_30 = arith.addi %mul3A_28, %add3A_29 : i32
    "tpu.region"() ({
      %run_scoped3A = tpu.sem_alloc : memref<!tpu.dma_semaphore, #tpu.memory_space<semaphore_mem>>
      %dma_start3A = arith.constant 0 : i32
      %dma_start3A_47 = tpu.memref_slice %arg10[%add3A_30, %dma_start3A] : memref<10240x128xf32, #tpu.memory_space<vmem_shared>> -> memref<128x128xf32, #tpu.memory_space<vmem_shared>>
      %dma_start3A_48 = arith.constant 0 : i32
      %dma_start3A_49 = tpu.memref_slice %arg10[%add3A_30, %dma_start3A_48] : memref<10240x128xf32, #tpu.memory_space<vmem_shared>> -> memref<128x128xf32, #tpu.memory_space<vmem_shared>>
      tpu.enqueue_dma source(%dma_start3A_49 : memref<128x128xf32, #tpu.memory_space<vmem_shared>>) target(%arg9 : memref<128x128xf32, #tpu.memory_space<vmem>>) target_semaphore(%run_scoped3A : memref<!tpu.dma_semaphore, #tpu.memory_space<semaphore_mem>>)
      %dma_wait3A = arith.constant 0 : i32
      %dma_wait3A_50 = tpu.memref_slice %arg10[%add3A_30, %dma_wait3A] : memref<10240x128xf32, #tpu.memory_space<vmem_shared>> -> memref<128x128xf32, #tpu.memory_space<vmem_shared>>
      %dma_wait3A_51 = arith.constant 0 : i32
      %dma_wait3A_52 = tpu.memref_slice %arg10[%add3A_30, %dma_wait3A_51] : memref<10240x128xf32, #tpu.memory_space<vmem_shared>> -> memref<128x128xf32, #tpu.memory_space<vmem_shared>>
      tpu.wait_dma2 semaphore(%run_scoped3A : memref<!tpu.dma_semaphore, #tpu.memory_space<semaphore_mem>>) src(%dma_wait3A_52 : memref<128x128xf32, #tpu.memory_space<vmem_shared>>) dst(%arg9 : memref<128x128xf32, #tpu.memory_space<vmem>>)
      tpu.yield
    }) : () -> ()
    "tpu.region"() ({
      %run_scoped3A = tpu.sem_alloc : memref<!tpu.dma_semaphore, #tpu.memory_space<semaphore_mem>>
      %dma_start3A = arith.constant 0 : i32
      %dma_start3A_47 = arith.constant 0 : i32
      %dma_start3A_48 = tpu.memref_slice %arg6[%arg0, %dma_start3A, %dma_start3A_47] : memref<2x10240x128xf32, #tpu.memory_space<hbm>> -> memref<1x10240x128xf32, #tpu.memory_space<hbm>>
      %dma_start3A_49 = tpu.memref_squeeze %dma_start3A_48 : memref<1x10240x128xf32, #tpu.memory_space<hbm>> -> memref<10240x128xf32, #tpu.memory_space<hbm>>
      %dma_start3A_50 = arith.constant 0 : i32
      %dma_start3A_51 = tpu.memref_slice %dma_start3A_49[%add3A_30, %dma_start3A_50] : memref<10240x128xf32, #tpu.memory_space<hbm>> -> memref<128x128xf32, #tpu.memory_space<hbm>>
      %dma_start3A_52 = arith.constant 0 : i32
      %dma_start3A_53 = arith.constant 0 : i32
      %dma_start3A_54 = tpu.memref_slice %arg6[%arg0, %dma_start3A_52, %dma_start3A_53] : memref<2x10240x128xf32, #tpu.memory_space<hbm>> -> memref<1x10240x128xf32, #tpu.memory_space<hbm>>
      %dma_start3A_55 = tpu.memref_squeeze %dma_start3A_54 : memref<1x10240x128xf32, #tpu.memory_space<hbm>> -> memref<10240x128xf32, #tpu.memory_space<hbm>>
      %dma_start3A_56 = arith.constant 0 : i32
      %dma_start3A_57 = tpu.memref_slice %dma_start3A_55[%add3A_30, %dma_start3A_56] : memref<10240x128xf32, #tpu.memory_space<hbm>> -> memref<128x128xf32, #tpu.memory_space<hbm>>
      tpu.enqueue_dma source(%arg9 : memref<128x128xf32, #tpu.memory_space<vmem>>) target(%dma_start3A_57 : memref<128x128xf32, #tpu.memory_space<hbm>>) target_semaphore(%run_scoped3A : memref<!tpu.dma_semaphore, #tpu.memory_space<semaphore_mem>>)
      %dma_wait3A = arith.constant 0 : i32
      %dma_wait3A_58 = arith.constant 0 : i32
      %dma_wait3A_59 = tpu.memref_slice %arg6[%arg0, %dma_wait3A, %dma_wait3A_58] : memref<2x10240x128xf32, #tpu.memory_space<hbm>> -> memref<1x10240x128xf32, #tpu.memory_space<hbm>>
      %dma_wait3A_60 = tpu.memref_squeeze %dma_wait3A_59 : memref<1x10240x128xf32, #tpu.memory_space<hbm>> -> memref<10240x128xf32, #tpu.memory_space<hbm>>
      %dma_wait3A_61 = arith.constant 0 : i32
      %dma_wait3A_62 = tpu.memref_slice %dma_wait3A_60[%add3A_30, %dma_wait3A_61] : memref<10240x128xf32, #tpu.memory_space<hbm>> -> memref<128x128xf32, #tpu.memory_space<hbm>>
      %dma_wait3A_63 = arith.constant 0 : i32
      %dma_wait3A_64 = arith.constant 0 : i32
      %dma_wait3A_65 = tpu.memref_slice %arg6[%arg0, %dma_wait3A_63, %dma_wait3A_64] : memref<2x10240x128xf32, #tpu.memory_space<hbm>> -> memref<1x10240x128xf32, #tpu.memory_space<hbm>>
      %dma_wait3A_66 = tpu.memref_squeeze %dma_wait3A_65 : memref<1x10240x128xf32, #tpu.memory_space<hbm>> -> memref<10240x128xf32, #tpu.memory_space<hbm>>
      %dma_wait3A_67 = arith.constant 0 : i32
      %dma_wait3A_68 = tpu.memref_slice %dma_wait3A_66[%add3A_30, %dma_wait3A_67] : memref<10240x128xf32, #tpu.memory_space<hbm>> -> memref<128x128xf32, #tpu.memory_space<hbm>>
      tpu.wait_dma2 semaphore(%run_scoped3A : memref<!tpu.dma_semaphore, #tpu.memory_space<semaphore_mem>>) src(%arg9 : memref<128x128xf32, #tpu.memory_space<vmem>>) dst(%dma_wait3A_68 : memref<128x128xf32, #tpu.memory_space<hbm>>)
      tpu.yield
    }) : () -> ()
    %mul3A_31 = arith.constant 640 : i32
    %mul3A_32 = arith.muli %arg1, %mul3A_31 : i32
    %add3A_33 = arith.constant 128 : i32
    %add3A_34 = arith.addi %mul3A_32, %add3A_33 : i32
    "tpu.region"() ({
      %run_scoped3A = tpu.sem_alloc : memref<!tpu.dma_semaphore, #tpu.memory_space<semaphore_mem>>
      %dma_start3A = arith.constant 0 : i32
      %dma_start3A_47 = tpu.memref_slice %arg10[%add3A_34, %dma_start3A] : memref<10240x128xf32, #tpu.memory_space<vmem_shared>> -> memref<128x128xf32, #tpu.memory_space<vmem_shared>>
      %dma_start3A_48 = arith.constant 0 : i32
      %dma_start3A_49 = tpu.memref_slice %arg10[%add3A_34, %dma_start3A_48] : memref<10240x128xf32, #tpu.memory_space<vmem_shared>> -> memref<128x128xf32, #tpu.memory_space<vmem_shared>>
      tpu.enqueue_dma source(%dma_start3A_49 : memref<128x128xf32, #tpu.memory_space<vmem_shared>>) target(%arg9 : memref<128x128xf32, #tpu.memory_space<vmem>>) target_semaphore(%run_scoped3A : memref<!tpu.dma_semaphore, #tpu.memory_space<semaphore_mem>>)
      %dma_wait3A = arith.constant 0 : i32
      %dma_wait3A_50 = tpu.memref_slice %arg10[%add3A_34, %dma_wait3A] : memref<10240x128xf32, #tpu.memory_space<vmem_shared>> -> memref<128x128xf32, #tpu.memory_space<vmem_shared>>
      %dma_wait3A_51 = arith.constant 0 : i32
      %dma_wait3A_52 = tpu.memref_slice %arg10[%add3A_34, %dma_wait3A_51] : memref<10240x128xf32, #tpu.memory_space<vmem_shared>> -> memref<128x128xf32, #tpu.memory_space<vmem_shared>>
      tpu.wait_dma2 semaphore(%run_scoped3A : memref<!tpu.dma_semaphore, #tpu.memory_space<semaphore_mem>>) src(%dma_wait3A_52 : memref<128x128xf32, #tpu.memory_space<vmem_shared>>) dst(%arg9 : memref<128x128xf32, #tpu.memory_space<vmem>>)
      tpu.yield
    }) : () -> ()
    "tpu.region"() ({
      %run_scoped3A = tpu.sem_alloc : memref<!tpu.dma_semaphore, #tpu.memory_space<semaphore_mem>>
      %dma_start3A = arith.constant 0 : i32
      %dma_start3A_47 = arith.constant 0 : i32
      %dma_start3A_48 = tpu.memref_slice %arg6[%arg0, %dma_start3A, %dma_start3A_47] : memref<2x10240x128xf32, #tpu.memory_space<hbm>> -> memref<1x10240x128xf32, #tpu.memory_space<hbm>>
      %dma_start3A_49 = tpu.memref_squeeze %dma_start3A_48 : memref<1x10240x128xf32, #tpu.memory_space<hbm>> -> memref<10240x128xf32, #tpu.memory_space<hbm>>
      %dma_start3A_50 = arith.constant 0 : i32
      %dma_start3A_51 = tpu.memref_slice %dma_start3A_49[%add3A_34, %dma_start3A_50] : memref<10240x128xf32, #tpu.memory_space<hbm>> -> memref<128x128xf32, #tpu.memory_space<hbm>>
      %dma_start3A_52 = arith.constant 0 : i32
      %dma_start3A_53 = arith.constant 0 : i32
      %dma_start3A_54 = tpu.memref_slice %arg6[%arg0, %dma_start3A_52, %dma_start3A_53] : memref<2x10240x128xf32, #tpu.memory_space<hbm>> -> memref<1x10240x128xf32, #tpu.memory_space<hbm>>
      %dma_start3A_55 = tpu.memref_squeeze %dma_start3A_54 : memref<1x10240x128xf32, #tpu.memory_space<hbm>> -> memref<10240x128xf32, #tpu.memory_space<hbm>>
      %dma_start3A_56 = arith.constant 0 : i32
      %dma_start3A_57 = tpu.memref_slice %dma_start3A_55[%add3A_34, %dma_start3A_56] : memref<10240x128xf32, #tpu.memory_space<hbm>> -> memref<128x128xf32, #tpu.memory_space<hbm>>
      tpu.enqueue_dma source(%arg9 : memref<128x128xf32, #tpu.memory_space<vmem>>) target(%dma_start3A_57 : memref<128x128xf32, #tpu.memory_space<hbm>>) target_semaphore(%run_scoped3A : memref<!tpu.dma_semaphore, #tpu.memory_space<semaphore_mem>>)
      %dma_wait3A = arith.constant 0 : i32
      %dma_wait3A_58 = arith.constant 0 : i32
      %dma_wait3A_59 = tpu.memref_slice %arg6[%arg0, %dma_wait3A, %dma_wait3A_58] : memref<2x10240x128xf32, #tpu.memory_space<hbm>> -> memref<1x10240x128xf32, #tpu.memory_space<hbm>>
      %dma_wait3A_60 = tpu.memref_squeeze %dma_wait3A_59 : memref<1x10240x128xf32, #tpu.memory_space<hbm>> -> memref<10240x128xf32, #tpu.memory_space<hbm>>
      %dma_wait3A_61 = arith.constant 0 : i32
      %dma_wait3A_62 = tpu.memref_slice %dma_wait3A_60[%add3A_34, %dma_wait3A_61] : memref<10240x128xf32, #tpu.memory_space<hbm>> -> memref<128x128xf32, #tpu.memory_space<hbm>>
      %dma_wait3A_63 = arith.constant 0 : i32
      %dma_wait3A_64 = arith.constant 0 : i32
      %dma_wait3A_65 = tpu.memref_slice %arg6[%arg0, %dma_wait3A_63, %dma_wait3A_64] : memref<2x10240x128xf32, #tpu.memory_space<hbm>> -> memref<1x10240x128xf32, #tpu.memory_space<hbm>>
      %dma_wait3A_66 = tpu.memref_squeeze %dma_wait3A_65 : memref<1x10240x128xf32, #tpu.memory_space<hbm>> -> memref<10240x128xf32, #tpu.memory_space<hbm>>
      %dma_wait3A_67 = arith.constant 0 : i32
      %dma_wait3A_68 = tpu.memref_slice %dma_wait3A_66[%add3A_34, %dma_wait3A_67] : memref<10240x128xf32, #tpu.memory_space<hbm>> -> memref<128x128xf32, #tpu.memory_space<hbm>>
      tpu.wait_dma2 semaphore(%run_scoped3A : memref<!tpu.dma_semaphore, #tpu.memory_space<semaphore_mem>>) src(%arg9 : memref<128x128xf32, #tpu.memory_space<vmem>>) dst(%dma_wait3A_68 : memref<128x128xf32, #tpu.memory_space<hbm>>)
      tpu.yield
    }) : () -> ()
    %mul3A_35 = arith.constant 640 : i32
    %mul3A_36 = arith.muli %arg1, %mul3A_35 : i32
    %add3A_37 = arith.constant 256 : i32
    %add3A_38 = arith.addi %mul3A_36, %add3A_37 : i32
    "tpu.region"() ({
      %run_scoped3A = tpu.sem_alloc : memref<!tpu.dma_semaphore, #tpu.memory_space<semaphore_mem>>
      %dma_start3A = arith.constant 0 : i32
      %dma_start3A_47 = tpu.memref_slice %arg10[%add3A_38, %dma_start3A] : memref<10240x128xf32, #tpu.memory_space<vmem_shared>> -> memref<128x128xf32, #tpu.memory_space<vmem_shared>>
      %dma_start3A_48 = arith.constant 0 : i32
      %dma_start3A_49 = tpu.memref_slice %arg10[%add3A_38, %dma_start3A_48] : memref<10240x128xf32, #tpu.memory_space<vmem_shared>> -> memref<128x128xf32, #tpu.memory_space<vmem_shared>>
      tpu.enqueue_dma source(%dma_start3A_49 : memref<128x128xf32, #tpu.memory_space<vmem_shared>>) target(%arg9 : memref<128x128xf32, #tpu.memory_space<vmem>>) target_semaphore(%run_scoped3A : memref<!tpu.dma_semaphore, #tpu.memory_space<semaphore_mem>>)
      %dma_wait3A = arith.constant 0 : i32
      %dma_wait3A_50 = tpu.memref_slice %arg10[%add3A_38, %dma_wait3A] : memref<10240x128xf32, #tpu.memory_space<vmem_shared>> -> memref<128x128xf32, #tpu.memory_space<vmem_shared>>
      %dma_wait3A_51 = arith.constant 0 : i32
      %dma_wait3A_52 = tpu.memref_slice %arg10[%add3A_38, %dma_wait3A_51] : memref<10240x128xf32, #tpu.memory_space<vmem_shared>> -> memref<128x128xf32, #tpu.memory_space<vmem_shared>>
      tpu.wait_dma2 semaphore(%run_scoped3A : memref<!tpu.dma_semaphore, #tpu.memory_space<semaphore_mem>>) src(%dma_wait3A_52 : memref<128x128xf32, #tpu.memory_space<vmem_shared>>) dst(%arg9 : memref<128x128xf32, #tpu.memory_space<vmem>>)
      tpu.yield
    }) : () -> ()
    "tpu.region"() ({
      %run_scoped3A = tpu.sem_alloc : memref<!tpu.dma_semaphore, #tpu.memory_space<semaphore_mem>>
      %dma_start3A = arith.constant 0 : i32
      %dma_start3A_47 = arith.constant 0 : i32
      %dma_start3A_48 = tpu.memref_slice %arg6[%arg0, %dma_start3A, %dma_start3A_47] : memref<2x10240x128xf32, #tpu.memory_space<hbm>> -> memref<1x10240x128xf32, #tpu.memory_space<hbm>>
      %dma_start3A_49 = tpu.memref_squeeze %dma_start3A_48 : memref<1x10240x128xf32, #tpu.memory_space<hbm>> -> memref<10240x128xf32, #tpu.memory_space<hbm>>
      %dma_start3A_50 = arith.constant 0 : i32
      %dma_start3A_51 = tpu.memref_slice %dma_start3A_49[%add3A_38, %dma_start3A_50] : memref<10240x128xf32, #tpu.memory_space<hbm>> -> memref<128x128xf32, #tpu.memory_space<hbm>>
      %dma_start3A_52 = arith.constant 0 : i32
      %dma_start3A_53 = arith.constant 0 : i32
      %dma_start3A_54 = tpu.memref_slice %arg6[%arg0, %dma_start3A_52, %dma_start3A_53] : memref<2x10240x128xf32, #tpu.memory_space<hbm>> -> memref<1x10240x128xf32, #tpu.memory_space<hbm>>
      %dma_start3A_55 = tpu.memref_squeeze %dma_start3A_54 : memref<1x10240x128xf32, #tpu.memory_space<hbm>> -> memref<10240x128xf32, #tpu.memory_space<hbm>>
      %dma_start3A_56 = arith.constant 0 : i32
      %dma_start3A_57 = tpu.memref_slice %dma_start3A_55[%add3A_38, %dma_start3A_56] : memref<10240x128xf32, #tpu.memory_space<hbm>> -> memref<128x128xf32, #tpu.memory_space<hbm>>
      tpu.enqueue_dma source(%arg9 : memref<128x128xf32, #tpu.memory_space<vmem>>) target(%dma_start3A_57 : memref<128x128xf32, #tpu.memory_space<hbm>>) target_semaphore(%run_scoped3A : memref<!tpu.dma_semaphore, #tpu.memory_space<semaphore_mem>>)
      %dma_wait3A = arith.constant 0 : i32
      %dma_wait3A_58 = arith.constant 0 : i32
      %dma_wait3A_59 = tpu.memref_slice %arg6[%arg0, %dma_wait3A, %dma_wait3A_58] : memref<2x10240x128xf32, #tpu.memory_space<hbm>> -> memref<1x10240x128xf32, #tpu.memory_space<hbm>>
      %dma_wait3A_60 = tpu.memref_squeeze %dma_wait3A_59 : memref<1x10240x128xf32, #tpu.memory_space<hbm>> -> memref<10240x128xf32, #tpu.memory_space<hbm>>
      %dma_wait3A_61 = arith.constant 0 : i32
      %dma_wait3A_62 = tpu.memref_slice %dma_wait3A_60[%add3A_38, %dma_wait3A_61] : memref<10240x128xf32, #tpu.memory_space<hbm>> -> memref<128x128xf32, #tpu.memory_space<hbm>>
      %dma_wait3A_63 = arith.constant 0 : i32
      %dma_wait3A_64 = arith.constant 0 : i32
      %dma_wait3A_65 = tpu.memref_slice %arg6[%arg0, %dma_wait3A_63, %dma_wait3A_64] : memref<2x10240x128xf32, #tpu.memory_space<hbm>> -> memref<1x10240x128xf32, #tpu.memory_space<hbm>>
      %dma_wait3A_66 = tpu.memref_squeeze %dma_wait3A_65 : memref<1x10240x128xf32, #tpu.memory_space<hbm>> -> memref<10240x128xf32, #tpu.memory_space<hbm>>
      %dma_wait3A_67 = arith.constant 0 : i32
      %dma_wait3A_68 = tpu.memref_slice %dma_wait3A_66[%add3A_38, %dma_wait3A_67] : memref<10240x128xf32, #tpu.memory_space<hbm>> -> memref<128x128xf32, #tpu.memory_space<hbm>>
      tpu.wait_dma2 semaphore(%run_scoped3A : memref<!tpu.dma_semaphore, #tpu.memory_space<semaphore_mem>>) src(%arg9 : memref<128x128xf32, #tpu.memory_space<vmem>>) dst(%dma_wait3A_68 : memref<128x128xf32, #tpu.memory_space<hbm>>)
      tpu.yield
    }) : () -> ()
    %mul3A_39 = arith.constant 640 : i32
    %mul3A_40 = arith.muli %arg1, %mul3A_39 : i32
    %add3A_41 = arith.constant 384 : i32
    %add3A_42 = arith.addi %mul3A_40, %add3A_41 : i32
    "tpu.region"() ({
      %run_scoped3A = tpu.sem_alloc : memref<!tpu.dma_semaphore, #tpu.memory_space<semaphore_mem>>
      %dma_start3A = arith.constant 0 : i32
      %dma_start3A_47 = tpu.memref_slice %arg10[%add3A_42, %dma_start3A] : memref<10240x128xf32, #tpu.memory_space<vmem_shared>> -> memref<128x128xf32, #tpu.memory_space<vmem_shared>>
      %dma_start3A_48 = arith.constant 0 : i32
      %dma_start3A_49 = tpu.memref_slice %arg10[%add3A_42, %dma_start3A_48] : memref<10240x128xf32, #tpu.memory_space<vmem_shared>> -> memref<128x128xf32, #tpu.memory_space<vmem_shared>>
      tpu.enqueue_dma source(%dma_start3A_49 : memref<128x128xf32, #tpu.memory_space<vmem_shared>>) target(%arg9 : memref<128x128xf32, #tpu.memory_space<vmem>>) target_semaphore(%run_scoped3A : memref<!tpu.dma_semaphore, #tpu.memory_space<semaphore_mem>>)
      %dma_wait3A = arith.constant 0 : i32
      %dma_wait3A_50 = tpu.memref_slice %arg10[%add3A_42, %dma_wait3A] : memref<10240x128xf32, #tpu.memory_space<vmem_shared>> -> memref<128x128xf32, #tpu.memory_space<vmem_shared>>
      %dma_wait3A_51 = arith.constant 0 : i32
      %dma_wait3A_52 = tpu.memref_slice %arg10[%add3A_42, %dma_wait3A_51] : memref<10240x128xf32, #tpu.memory_space<vmem_shared>> -> memref<128x128xf32, #tpu.memory_space<vmem_shared>>
      tpu.wait_dma2 semaphore(%run_scoped3A : memref<!tpu.dma_semaphore, #tpu.memory_space<semaphore_mem>>) src(%dma_wait3A_52 : memref<128x128xf32, #tpu.memory_space<vmem_shared>>) dst(%arg9 : memref<128x128xf32, #tpu.memory_space<vmem>>)
      tpu.yield
    }) : () -> ()
    "tpu.region"() ({
      %run_scoped3A = tpu.sem_alloc : memref<!tpu.dma_semaphore, #tpu.memory_space<semaphore_mem>>
      %dma_start3A = arith.constant 0 : i32
      %dma_start3A_47 = arith.constant 0 : i32
      %dma_start3A_48 = tpu.memref_slice %arg6[%arg0, %dma_start3A, %dma_start3A_47] : memref<2x10240x128xf32, #tpu.memory_space<hbm>> -> memref<1x10240x128xf32, #tpu.memory_space<hbm>>
      %dma_start3A_49 = tpu.memref_squeeze %dma_start3A_48 : memref<1x10240x128xf32, #tpu.memory_space<hbm>> -> memref<10240x128xf32, #tpu.memory_space<hbm>>
      %dma_start3A_50 = arith.constant 0 : i32
      %dma_start3A_51 = tpu.memref_slice %dma_start3A_49[%add3A_42, %dma_start3A_50] : memref<10240x128xf32, #tpu.memory_space<hbm>> -> memref<128x128xf32, #tpu.memory_space<hbm>>
      %dma_start3A_52 = arith.constant 0 : i32
      %dma_start3A_53 = arith.constant 0 : i32
      %dma_start3A_54 = tpu.memref_slice %arg6[%arg0, %dma_start3A_52, %dma_start3A_53] : memref<2x10240x128xf32, #tpu.memory_space<hbm>> -> memref<1x10240x128xf32, #tpu.memory_space<hbm>>
      %dma_start3A_55 = tpu.memref_squeeze %dma_start3A_54 : memref<1x10240x128xf32, #tpu.memory_space<hbm>> -> memref<10240x128xf32, #tpu.memory_space<hbm>>
      %dma_start3A_56 = arith.constant 0 : i32
      %dma_start3A_57 = tpu.memref_slice %dma_start3A_55[%add3A_42, %dma_start3A_56] : memref<10240x128xf32, #tpu.memory_space<hbm>> -> memref<128x128xf32, #tpu.memory_space<hbm>>
      tpu.enqueue_dma source(%arg9 : memref<128x128xf32, #tpu.memory_space<vmem>>) target(%dma_start3A_57 : memref<128x128xf32, #tpu.memory_space<hbm>>) target_semaphore(%run_scoped3A : memref<!tpu.dma_semaphore, #tpu.memory_space<semaphore_mem>>)
      %dma_wait3A = arith.constant 0 : i32
      %dma_wait3A_58 = arith.constant 0 : i32
      %dma_wait3A_59 = tpu.memref_slice %arg6[%arg0, %dma_wait3A, %dma_wait3A_58] : memref<2x10240x128xf32, #tpu.memory_space<hbm>> -> memref<1x10240x128xf32, #tpu.memory_space<hbm>>
      %dma_wait3A_60 = tpu.memref_squeeze %dma_wait3A_59 : memref<1x10240x128xf32, #tpu.memory_space<hbm>> -> memref<10240x128xf32, #tpu.memory_space<hbm>>
      %dma_wait3A_61 = arith.constant 0 : i32
      %dma_wait3A_62 = tpu.memref_slice %dma_wait3A_60[%add3A_42, %dma_wait3A_61] : memref<10240x128xf32, #tpu.memory_space<hbm>> -> memref<128x128xf32, #tpu.memory_space<hbm>>
      %dma_wait3A_63 = arith.constant 0 : i32
      %dma_wait3A_64 = arith.constant 0 : i32
      %dma_wait3A_65 = tpu.memref_slice %arg6[%arg0, %dma_wait3A_63, %dma_wait3A_64] : memref<2x10240x128xf32, #tpu.memory_space<hbm>> -> memref<1x10240x128xf32, #tpu.memory_space<hbm>>
      %dma_wait3A_66 = tpu.memref_squeeze %dma_wait3A_65 : memref<1x10240x128xf32, #tpu.memory_space<hbm>> -> memref<10240x128xf32, #tpu.memory_space<hbm>>
      %dma_wait3A_67 = arith.constant 0 : i32
      %dma_wait3A_68 = tpu.memref_slice %dma_wait3A_66[%add3A_42, %dma_wait3A_67] : memref<10240x128xf32, #tpu.memory_space<hbm>> -> memref<128x128xf32, #tpu.memory_space<hbm>>
      tpu.wait_dma2 semaphore(%run_scoped3A : memref<!tpu.dma_semaphore, #tpu.memory_space<semaphore_mem>>) src(%arg9 : memref<128x128xf32, #tpu.memory_space<vmem>>) dst(%dma_wait3A_68 : memref<128x128xf32, #tpu.memory_space<hbm>>)
      tpu.yield
    }) : () -> ()
    %mul3A_43 = arith.constant 640 : i32
    %mul3A_44 = arith.muli %arg1, %mul3A_43 : i32
    %add3A_45 = arith.constant 512 : i32
    %add3A_46 = arith.addi %mul3A_44, %add3A_45 : i32
    "tpu.region"() ({
      %run_scoped3A = tpu.sem_alloc : memref<!tpu.dma_semaphore, #tpu.memory_space<semaphore_mem>>
      %dma_start3A = arith.constant 0 : i32
      %dma_start3A_47 = tpu.memref_slice %arg10[%add3A_46, %dma_start3A] : memref<10240x128xf32, #tpu.memory_space<vmem_shared>> -> memref<128x128xf32, #tpu.memory_space<vmem_shared>>
      %dma_start3A_48 = arith.constant 0 : i32
      %dma_start3A_49 = tpu.memref_slice %arg10[%add3A_46, %dma_start3A_48] : memref<10240x128xf32, #tpu.memory_space<vmem_shared>> -> memref<128x128xf32, #tpu.memory_space<vmem_shared>>
      tpu.enqueue_dma source(%dma_start3A_49 : memref<128x128xf32, #tpu.memory_space<vmem_shared>>) target(%arg9 : memref<128x128xf32, #tpu.memory_space<vmem>>) target_semaphore(%run_scoped3A : memref<!tpu.dma_semaphore, #tpu.memory_space<semaphore_mem>>)
      %dma_wait3A = arith.constant 0 : i32
      %dma_wait3A_50 = tpu.memref_slice %arg10[%add3A_46, %dma_wait3A] : memref<10240x128xf32, #tpu.memory_space<vmem_shared>> -> memref<128x128xf32, #tpu.memory_space<vmem_shared>>
      %dma_wait3A_51 = arith.constant 0 : i32
      %dma_wait3A_52 = tpu.memref_slice %arg10[%add3A_46, %dma_wait3A_51] : memref<10240x128xf32, #tpu.memory_space<vmem_shared>> -> memref<128x128xf32, #tpu.memory_space<vmem_shared>>
      tpu.wait_dma2 semaphore(%run_scoped3A : memref<!tpu.dma_semaphore, #tpu.memory_space<semaphore_mem>>) src(%dma_wait3A_52 : memref<128x128xf32, #tpu.memory_space<vmem_shared>>) dst(%arg9 : memref<128x128xf32, #tpu.memory_space<vmem>>)
      tpu.yield
    }) : () -> ()
    "tpu.region"() ({
      %run_scoped3A = tpu.sem_alloc : memref<!tpu.dma_semaphore, #tpu.memory_space<semaphore_mem>>
      %dma_start3A = arith.constant 0 : i32
      %dma_start3A_47 = arith.constant 0 : i32
      %dma_start3A_48 = tpu.memref_slice %arg6[%arg0, %dma_start3A, %dma_start3A_47] : memref<2x10240x128xf32, #tpu.memory_space<hbm>> -> memref<1x10240x128xf32, #tpu.memory_space<hbm>>
      %dma_start3A_49 = tpu.memref_squeeze %dma_start3A_48 : memref<1x10240x128xf32, #tpu.memory_space<hbm>> -> memref<10240x128xf32, #tpu.memory_space<hbm>>
      %dma_start3A_50 = arith.constant 0 : i32
      %dma_start3A_51 = tpu.memref_slice %dma_start3A_49[%add3A_46, %dma_start3A_50] : memref<10240x128xf32, #tpu.memory_space<hbm>> -> memref<128x128xf32, #tpu.memory_space<hbm>>
      %dma_start3A_52 = arith.constant 0 : i32
      %dma_start3A_53 = arith.constant 0 : i32
      %dma_start3A_54 = tpu.memref_slice %arg6[%arg0, %dma_start3A_52, %dma_start3A_53] : memref<2x10240x128xf32, #tpu.memory_space<hbm>> -> memref<1x10240x128xf32, #tpu.memory_space<hbm>>
      %dma_start3A_55 = tpu.memref_squeeze %dma_start3A_54 : memref<1x10240x128xf32, #tpu.memory_space<hbm>> -> memref<10240x128xf32, #tpu.memory_space<hbm>>
      %dma_start3A_56 = arith.constant 0 : i32
      %dma_start3A_57 = tpu.memref_slice %dma_start3A_55[%add3A_46, %dma_start3A_56] : memref<10240x128xf32, #tpu.memory_space<hbm>> -> memref<128x128xf32, #tpu.memory_space<hbm>>
      tpu.enqueue_dma source(%arg9 : memref<128x128xf32, #tpu.memory_space<vmem>>) target(%dma_start3A_57 : memref<128x128xf32, #tpu.memory_space<hbm>>) target_semaphore(%run_scoped3A : memref<!tpu.dma_semaphore, #tpu.memory_space<semaphore_mem>>)
      %dma_wait3A = arith.constant 0 : i32
      %dma_wait3A_58 = arith.constant 0 : i32
      %dma_wait3A_59 = tpu.memref_slice %arg6[%arg0, %dma_wait3A, %dma_wait3A_58] : memref<2x10240x128xf32, #tpu.memory_space<hbm>> -> memref<1x10240x128xf32, #tpu.memory_space<hbm>>
      %dma_wait3A_60 = tpu.memref_squeeze %dma_wait3A_59 : memref<1x10240x128xf32, #tpu.memory_space<hbm>> -> memref<10240x128xf32, #tpu.memory_space<hbm>>
      %dma_wait3A_61 = arith.constant 0 : i32
      %dma_wait3A_62 = tpu.memref_slice %dma_wait3A_60[%add3A_46, %dma_wait3A_61] : memref<10240x128xf32, #tpu.memory_space<hbm>> -> memref<128x128xf32, #tpu.memory_space<hbm>>
      %dma_wait3A_63 = arith.constant 0 : i32
      %dma_wait3A_64 = arith.constant 0 : i32
      %dma_wait3A_65 = tpu.memref_slice %arg6[%arg0, %dma_wait3A_63, %dma_wait3A_64] : memref<2x10240x128xf32, #tpu.memory_space<hbm>> -> memref<1x10240x128xf32, #tpu.memory_space<hbm>>
      %dma_wait3A_66 = tpu.memref_squeeze %dma_wait3A_65 : memref<1x10240x128xf32, #tpu.memory_space<hbm>> -> memref<10240x128xf32, #tpu.memory_space<hbm>>
      %dma_wait3A_67 = arith.constant 0 : i32
      %dma_wait3A_68 = tpu.memref_slice %dma_wait3A_66[%add3A_46, %dma_wait3A_67] : memref<10240x128xf32, #tpu.memory_space<hbm>> -> memref<128x128xf32, #tpu.memory_space<hbm>>
      tpu.wait_dma2 semaphore(%run_scoped3A : memref<!tpu.dma_semaphore, #tpu.memory_space<semaphore_mem>>) src(%arg9 : memref<128x128xf32, #tpu.memory_space<vmem>>) dst(%dma_wait3A_68 : memref<128x128xf32, #tpu.memory_space<hbm>>)
      tpu.yield
    }) : () -> ()
    return
  }
}

#map = affine_map<(d0, d1) -> (0, 0, 0)>
module attributes {stable_mosaic.version = 14 : i64} {
  func.func @_deg_kernel(%arg0: i32, %arg1: i32, %arg2: memref<32x79x128xi32, #tpu.memory_space<hbm>>, %arg3: memref<32x80x128xf32, #tpu.memory_space<hbm>>, %arg4: memref<79x128xi32, #tpu.memory_space<vmem>>, %arg5: memref<80x128xf32, #tpu.memory_space<vmem>>) attributes {dimension_semantics = [#tpu.dimension_semantics<core_parallel>, #tpu.dimension_semantics<subcore_parallel>], iteration_bounds = array<i64: 2, 16>, scalar_prefetch = 0 : i64, scratch_operands = 2 : i64, tpu.core_type = #tpu.core_type<sc_vector_subcore>, window_params = [{transform_indices = #map}, {transform_indices = #map}]} {
    %mul3A = arith.constant 16 : i32
    %mul3A_0 = arith.muli %arg0, %mul3A : i32
    %add3A = arith.addi %mul3A_0, %arg1 : i32
    "tpu.region"() ({
      %run_scoped3A = tpu.sem_alloc : memref<!tpu.dma_semaphore, #tpu.memory_space<semaphore_mem>>
      %dma_start3A = arith.constant 0 : i32
      %dma_start3A_15 = arith.constant 0 : i32
      %dma_start3A_16 = tpu.memref_slice %arg2[%add3A, %dma_start3A, %dma_start3A_15] : memref<32x79x128xi32, #tpu.memory_space<hbm>> -> memref<1x79x128xi32, #tpu.memory_space<hbm>>
      %dma_start3A_17 = tpu.memref_squeeze %dma_start3A_16 : memref<1x79x128xi32, #tpu.memory_space<hbm>> -> memref<79x128xi32, #tpu.memory_space<hbm>>
      %dma_start3A_18 = arith.constant 0 : i32
      %dma_start3A_19 = arith.constant 0 : i32
      %dma_start3A_20 = tpu.memref_slice %arg2[%add3A, %dma_start3A_18, %dma_start3A_19] : memref<32x79x128xi32, #tpu.memory_space<hbm>> -> memref<1x79x128xi32, #tpu.memory_space<hbm>>
      %dma_start3A_21 = tpu.memref_squeeze %dma_start3A_20 : memref<1x79x128xi32, #tpu.memory_space<hbm>> -> memref<79x128xi32, #tpu.memory_space<hbm>>
      tpu.enqueue_dma source(%dma_start3A_21 : memref<79x128xi32, #tpu.memory_space<hbm>>) target(%arg4 : memref<79x128xi32, #tpu.memory_space<vmem>>) target_semaphore(%run_scoped3A : memref<!tpu.dma_semaphore, #tpu.memory_space<semaphore_mem>>)
      %dma_wait3A = arith.constant 0 : i32
      %dma_wait3A_22 = arith.constant 0 : i32
      %dma_wait3A_23 = tpu.memref_slice %arg2[%add3A, %dma_wait3A, %dma_wait3A_22] : memref<32x79x128xi32, #tpu.memory_space<hbm>> -> memref<1x79x128xi32, #tpu.memory_space<hbm>>
      %dma_wait3A_24 = tpu.memref_squeeze %dma_wait3A_23 : memref<1x79x128xi32, #tpu.memory_space<hbm>> -> memref<79x128xi32, #tpu.memory_space<hbm>>
      %dma_wait3A_25 = arith.constant 0 : i32
      %dma_wait3A_26 = arith.constant 0 : i32
      %dma_wait3A_27 = tpu.memref_slice %arg2[%add3A, %dma_wait3A_25, %dma_wait3A_26] : memref<32x79x128xi32, #tpu.memory_space<hbm>> -> memref<1x79x128xi32, #tpu.memory_space<hbm>>
      %dma_wait3A_28 = tpu.memref_squeeze %dma_wait3A_27 : memref<1x79x128xi32, #tpu.memory_space<hbm>> -> memref<79x128xi32, #tpu.memory_space<hbm>>
      tpu.wait_dma2 semaphore(%run_scoped3A : memref<!tpu.dma_semaphore, #tpu.memory_space<semaphore_mem>>) src(%dma_wait3A_28 : memref<79x128xi32, #tpu.memory_space<hbm>>) dst(%arg4 : memref<79x128xi32, #tpu.memory_space<vmem>>)
      tpu.yield
    }) : () -> ()
    %broadcast_in_dim3A = arith.constant 0.000000e+00 : f32
    %broadcast_in_dim3A_1 = vector.broadcast %broadcast_in_dim3A : f32 to vector<16xf32>
    %scan3A = arith.constant 0 : i32
    %scan3A_2 = arith.constant 0 : i32
    %scan3A_3 = arith.constant 80 : i32
    %scan3A_4 = arith.addi %scan3A_2, %scan3A_3 : i32
    %scan3A_5 = arith.constant 1 : i32
    scf.for %scan3A_15 = %scan3A_2 to %scan3A_4 step %scan3A_5  : i32 {
      %swap3A = arith.index_cast %scan3A_15 : i32 to index
      %swap3A_16 = arith.constant 0 : index
      %swap3A_17 = tpu.vector_load %arg5[%swap3A, %swap3A_16] {strides = array<i32>} : memref<80x128xf32, #tpu.memory_space<vmem>>, vector<16xf32>,
      tpu.vector_store %arg5[%swap3A, %swap3A_16], %broadcast_in_dim3A_1 {strides = array<i32>} : memref<80x128xf32, #tpu.memory_space<vmem>>, vector<16xf32>,
      %swap3A_18 = arith.index_cast %scan3A_15 : i32 to index
      %swap3A_19 = arith.constant 16 : index
      %swap3A_20 = tpu.vector_load %arg5[%swap3A_18, %swap3A_19] {strides = array<i32>} : memref<80x128xf32, #tpu.memory_space<vmem>>, vector<16xf32>,
      tpu.vector_store %arg5[%swap3A_18, %swap3A_19], %broadcast_in_dim3A_1 {strides = array<i32>} : memref<80x128xf32, #tpu.memory_space<vmem>>, vector<16xf32>,
      %swap3A_21 = arith.index_cast %scan3A_15 : i32 to index
      %swap3A_22 = arith.constant 32 : index
      %swap3A_23 = tpu.vector_load %arg5[%swap3A_21, %swap3A_22] {strides = array<i32>} : memref<80x128xf32, #tpu.memory_space<vmem>>, vector<16xf32>,
      tpu.vector_store %arg5[%swap3A_21, %swap3A_22], %broadcast_in_dim3A_1 {strides = array<i32>} : memref<80x128xf32, #tpu.memory_space<vmem>>, vector<16xf32>,
      %swap3A_24 = arith.index_cast %scan3A_15 : i32 to index
      %swap3A_25 = arith.constant 48 : index
      %swap3A_26 = tpu.vector_load %arg5[%swap3A_24, %swap3A_25] {strides = array<i32>} : memref<80x128xf32, #tpu.memory_space<vmem>>, vector<16xf32>,
      tpu.vector_store %arg5[%swap3A_24, %swap3A_25], %broadcast_in_dim3A_1 {strides = array<i32>} : memref<80x128xf32, #tpu.memory_space<vmem>>, vector<16xf32>,
      %swap3A_27 = arith.index_cast %scan3A_15 : i32 to index
      %swap3A_28 = arith.constant 64 : index
      %swap3A_29 = tpu.vector_load %arg5[%swap3A_27, %swap3A_28] {strides = array<i32>} : memref<80x128xf32, #tpu.memory_space<vmem>>, vector<16xf32>,
      tpu.vector_store %arg5[%swap3A_27, %swap3A_28], %broadcast_in_dim3A_1 {strides = array<i32>} : memref<80x128xf32, #tpu.memory_space<vmem>>, vector<16xf32>,
      %swap3A_30 = arith.index_cast %scan3A_15 : i32 to index
      %swap3A_31 = arith.constant 80 : index
      %swap3A_32 = tpu.vector_load %arg5[%swap3A_30, %swap3A_31] {strides = array<i32>} : memref<80x128xf32, #tpu.memory_space<vmem>>, vector<16xf32>,
      tpu.vector_store %arg5[%swap3A_30, %swap3A_31], %broadcast_in_dim3A_1 {strides = array<i32>} : memref<80x128xf32, #tpu.memory_space<vmem>>, vector<16xf32>,
      %swap3A_33 = arith.index_cast %scan3A_15 : i32 to index
      %swap3A_34 = arith.constant 96 : index
      %swap3A_35 = tpu.vector_load %arg5[%swap3A_33, %swap3A_34] {strides = array<i32>} : memref<80x128xf32, #tpu.memory_space<vmem>>, vector<16xf32>,
      tpu.vector_store %arg5[%swap3A_33, %swap3A_34], %broadcast_in_dim3A_1 {strides = array<i32>} : memref<80x128xf32, #tpu.memory_space<vmem>>, vector<16xf32>,
      %swap3A_36 = arith.index_cast %scan3A_15 : i32 to index
      %swap3A_37 = arith.constant 112 : index
      %swap3A_38 = tpu.vector_load %arg5[%swap3A_36, %swap3A_37] {strides = array<i32>} : memref<80x128xf32, #tpu.memory_space<vmem>>, vector<16xf32>,
      tpu.vector_store %arg5[%swap3A_36, %swap3A_37], %broadcast_in_dim3A_1 {strides = array<i32>} : memref<80x128xf32, #tpu.memory_space<vmem>>, vector<16xf32>,
    }
    %scan3A_6 = arith.constant 80 : i32
    %broadcast_in_dim3A_7 = arith.constant 1.000000e+00 : f32
    %broadcast_in_dim3A_8 = vector.broadcast %broadcast_in_dim3A_7 : f32 to vector<16xf32>
    %scan3A_9 = arith.constant 0 : i32
    %scan3A_10 = arith.constant 0 : i32
    %scan3A_11 = arith.constant 79 : i32
    %scan3A_12 = arith.addi %scan3A_10, %scan3A_11 : i32
    %scan3A_13 = arith.constant 1 : i32
    scf.for %scan3A_15 = %scan3A_10 to %scan3A_12 step %scan3A_13  : i32 {
      %get3A = arith.index_cast %scan3A_15 : i32 to index
      %get3A_16 = arith.constant 0 : index
      %get3A_17 = tpu.vector_load %arg4[%get3A, %get3A_16] {strides = array<i32>} : memref<79x128xi32, #tpu.memory_space<vmem>>, vector<16xi32>,
      %shift_right_arithmetic3A = arith.constant 7 : i32
      %shift_right_arithmetic3A_18 = vector.broadcast %shift_right_arithmetic3A : i32 to vector<16xi32>
      %shift_right_arithmetic3A_19 = arith.shrsi %get3A_17, %shift_right_arithmetic3A_18 : vector<16xi32>
      %and3A = arith.constant 127 : i32
      %and3A_20 = vector.broadcast %and3A : i32 to vector<16xi32>
      %and3A_21 = arith.andi %get3A_17, %and3A_20 : vector<16xi32>
      tpu.vector_store_idx %arg5[%shift_right_arithmetic3A_19, %and3A_21], %broadcast_in_dim3A_8 {add = true} : memref<80x128xf32, #tpu.memory_space<vmem>>[vector<16xi32>, vector<16xi32>], vector<16xf32>,
      %get3A_22 = arith.index_cast %scan3A_15 : i32 to index
      %get3A_23 = arith.constant 16 : index
      %get3A_24 = tpu.vector_load %arg4[%get3A_22, %get3A_23] {strides = array<i32>} : memref<79x128xi32, #tpu.memory_space<vmem>>, vector<16xi32>,
      %shift_right_arithmetic3A_25 = arith.constant 7 : i32
      %shift_right_arithmetic3A_26 = vector.broadcast %shift_right_arithmetic3A_25 : i32 to vector<16xi32>
      %shift_right_arithmetic3A_27 = arith.shrsi %get3A_24, %shift_right_arithmetic3A_26 : vector<16xi32>
      %and3A_28 = arith.constant 127 : i32
      %and3A_29 = vector.broadcast %and3A_28 : i32 to vector<16xi32>
      %and3A_30 = arith.andi %get3A_24, %and3A_29 : vector<16xi32>
      tpu.vector_store_idx %arg5[%shift_right_arithmetic3A_27, %and3A_30], %broadcast_in_dim3A_8 {add = true} : memref<80x128xf32, #tpu.memory_space<vmem>>[vector<16xi32>, vector<16xi32>], vector<16xf32>,
      %get3A_31 = arith.index_cast %scan3A_15 : i32 to index
      %get3A_32 = arith.constant 32 : index
      %get3A_33 = tpu.vector_load %arg4[%get3A_31, %get3A_32] {strides = array<i32>} : memref<79x128xi32, #tpu.memory_space<vmem>>, vector<16xi32>,
      %shift_right_arithmetic3A_34 = arith.constant 7 : i32
      %shift_right_arithmetic3A_35 = vector.broadcast %shift_right_arithmetic3A_34 : i32 to vector<16xi32>
      %shift_right_arithmetic3A_36 = arith.shrsi %get3A_33, %shift_right_arithmetic3A_35 : vector<16xi32>
      %and3A_37 = arith.constant 127 : i32
      %and3A_38 = vector.broadcast %and3A_37 : i32 to vector<16xi32>
      %and3A_39 = arith.andi %get3A_33, %and3A_38 : vector<16xi32>
      tpu.vector_store_idx %arg5[%shift_right_arithmetic3A_36, %and3A_39], %broadcast_in_dim3A_8 {add = true} : memref<80x128xf32, #tpu.memory_space<vmem>>[vector<16xi32>, vector<16xi32>], vector<16xf32>,
      %get3A_40 = arith.index_cast %scan3A_15 : i32 to index
      %get3A_41 = arith.constant 48 : index
      %get3A_42 = tpu.vector_load %arg4[%get3A_40, %get3A_41] {strides = array<i32>} : memref<79x128xi32, #tpu.memory_space<vmem>>, vector<16xi32>,
      %shift_right_arithmetic3A_43 = arith.constant 7 : i32
      %shift_right_arithmetic3A_44 = vector.broadcast %shift_right_arithmetic3A_43 : i32 to vector<16xi32>
      %shift_right_arithmetic3A_45 = arith.shrsi %get3A_42, %shift_right_arithmetic3A_44 : vector<16xi32>
      %and3A_46 = arith.constant 127 : i32
      %and3A_47 = vector.broadcast %and3A_46 : i32 to vector<16xi32>
      %and3A_48 = arith.andi %get3A_42, %and3A_47 : vector<16xi32>
      tpu.vector_store_idx %arg5[%shift_right_arithmetic3A_45, %and3A_48], %broadcast_in_dim3A_8 {add = true} : memref<80x128xf32, #tpu.memory_space<vmem>>[vector<16xi32>, vector<16xi32>], vector<16xf32>,
      %get3A_49 = arith.index_cast %scan3A_15 : i32 to index
      %get3A_50 = arith.constant 64 : index
      %get3A_51 = tpu.vector_load %arg4[%get3A_49, %get3A_50] {strides = array<i32>} : memref<79x128xi32, #tpu.memory_space<vmem>>, vector<16xi32>,
      %shift_right_arithmetic3A_52 = arith.constant 7 : i32
      %shift_right_arithmetic3A_53 = vector.broadcast %shift_right_arithmetic3A_52 : i32 to vector<16xi32>
      %shift_right_arithmetic3A_54 = arith.shrsi %get3A_51, %shift_right_arithmetic3A_53 : vector<16xi32>
      %and3A_55 = arith.constant 127 : i32
      %and3A_56 = vector.broadcast %and3A_55 : i32 to vector<16xi32>
      %and3A_57 = arith.andi %get3A_51, %and3A_56 : vector<16xi32>
      tpu.vector_store_idx %arg5[%shift_right_arithmetic3A_54, %and3A_57], %broadcast_in_dim3A_8 {add = true} : memref<80x128xf32, #tpu.memory_space<vmem>>[vector<16xi32>, vector<16xi32>], vector<16xf32>,
      %get3A_58 = arith.index_cast %scan3A_15 : i32 to index
      %get3A_59 = arith.constant 80 : index
      %get3A_60 = tpu.vector_load %arg4[%get3A_58, %get3A_59] {strides = array<i32>} : memref<79x128xi32, #tpu.memory_space<vmem>>, vector<16xi32>,
      %shift_right_arithmetic3A_61 = arith.constant 7 : i32
      %shift_right_arithmetic3A_62 = vector.broadcast %shift_right_arithmetic3A_61 : i32 to vector<16xi32>
      %shift_right_arithmetic3A_63 = arith.shrsi %get3A_60, %shift_right_arithmetic3A_62 : vector<16xi32>
      %and3A_64 = arith.constant 127 : i32
      %and3A_65 = vector.broadcast %and3A_64 : i32 to vector<16xi32>
      %and3A_66 = arith.andi %get3A_60, %and3A_65 : vector<16xi32>
      tpu.vector_store_idx %arg5[%shift_right_arithmetic3A_63, %and3A_66], %broadcast_in_dim3A_8 {add = true} : memref<80x128xf32, #tpu.memory_space<vmem>>[vector<16xi32>, vector<16xi32>], vector<16xf32>,
      %get3A_67 = arith.index_cast %scan3A_15 : i32 to index
      %get3A_68 = arith.constant 96 : index
      %get3A_69 = tpu.vector_load %arg4[%get3A_67, %get3A_68] {strides = array<i32>} : memref<79x128xi32, #tpu.memory_space<vmem>>, vector<16xi32>,
      %shift_right_arithmetic3A_70 = arith.constant 7 : i32
      %shift_right_arithmetic3A_71 = vector.broadcast %shift_right_arithmetic3A_70 : i32 to vector<16xi32>
      %shift_right_arithmetic3A_72 = arith.shrsi %get3A_69, %shift_right_arithmetic3A_71 : vector<16xi32>
      %and3A_73 = arith.constant 127 : i32
      %and3A_74 = vector.broadcast %and3A_73 : i32 to vector<16xi32>
      %and3A_75 = arith.andi %get3A_69, %and3A_74 : vector<16xi32>
      tpu.vector_store_idx %arg5[%shift_right_arithmetic3A_72, %and3A_75], %broadcast_in_dim3A_8 {add = true} : memref<80x128xf32, #tpu.memory_space<vmem>>[vector<16xi32>, vector<16xi32>], vector<16xf32>,
      %get3A_76 = arith.index_cast %scan3A_15 : i32 to index
      %get3A_77 = arith.constant 112 : index
      %get3A_78 = tpu.vector_load %arg4[%get3A_76, %get3A_77] {strides = array<i32>} : memref<79x128xi32, #tpu.memory_space<vmem>>, vector<16xi32>,
      %shift_right_arithmetic3A_79 = arith.constant 7 : i32
      %shift_right_arithmetic3A_80 = vector.broadcast %shift_right_arithmetic3A_79 : i32 to vector<16xi32>
      %shift_right_arithmetic3A_81 = arith.shrsi %get3A_78, %shift_right_arithmetic3A_80 : vector<16xi32>
      %and3A_82 = arith.constant 127 : i32
      %and3A_83 = vector.broadcast %and3A_82 : i32 to vector<16xi32>
      %and3A_84 = arith.andi %get3A_78, %and3A_83 : vector<16xi32>
      tpu.vector_store_idx %arg5[%shift_right_arithmetic3A_81, %and3A_84], %broadcast_in_dim3A_8 {add = true} : memref<80x128xf32, #tpu.memory_space<vmem>>[vector<16xi32>, vector<16xi32>], vector<16xf32>,
    }
    %scan3A_14 = arith.constant 79 : i32
    "tpu.region"() ({
      %run_scoped3A = tpu.sem_alloc : memref<!tpu.dma_semaphore, #tpu.memory_space<semaphore_mem>>
      %dma_start3A = arith.constant 0 : i32
      %dma_start3A_15 = arith.constant 0 : i32
      %dma_start3A_16 = tpu.memref_slice %arg3[%add3A, %dma_start3A, %dma_start3A_15] : memref<32x80x128xf32, #tpu.memory_space<hbm>> -> memref<1x80x128xf32, #tpu.memory_space<hbm>>
      %dma_start3A_17 = tpu.memref_squeeze %dma_start3A_16 : memref<1x80x128xf32, #tpu.memory_space<hbm>> -> memref<80x128xf32, #tpu.memory_space<hbm>>
      %dma_start3A_18 = arith.constant 0 : i32
      %dma_start3A_19 = arith.constant 0 : i32
      %dma_start3A_20 = tpu.memref_slice %arg3[%add3A, %dma_start3A_18, %dma_start3A_19] : memref<32x80x128xf32, #tpu.memory_space<hbm>> -> memref<1x80x128xf32, #tpu.memory_space<hbm>>
      %dma_start3A_21 = tpu.memref_squeeze %dma_start3A_20 : memref<1x80x128xf32, #tpu.memory_space<hbm>> -> memref<80x128xf32, #tpu.memory_space<hbm>>
      tpu.enqueue_dma source(%arg5 : memref<80x128xf32, #tpu.memory_space<vmem>>) target(%dma_start3A_21 : memref<80x128xf32, #tpu.memory_space<hbm>>) target_semaphore(%run_scoped3A : memref<!tpu.dma_semaphore, #tpu.memory_space<semaphore_mem>>)
      %dma_wait3A = arith.constant 0 : i32
      %dma_wait3A_22 = arith.constant 0 : i32
      %dma_wait3A_23 = tpu.memref_slice %arg3[%add3A, %dma_wait3A, %dma_wait3A_22] : memref<32x80x128xf32, #tpu.memory_space<hbm>> -> memref<1x80x128xf32, #tpu.memory_space<hbm>>
      %dma_wait3A_24 = tpu.memref_squeeze %dma_wait3A_23 : memref<1x80x128xf32, #tpu.memory_space<hbm>> -> memref<80x128xf32, #tpu.memory_space<hbm>>
      %dma_wait3A_25 = arith.constant 0 : i32
      %dma_wait3A_26 = arith.constant 0 : i32
      %dma_wait3A_27 = tpu.memref_slice %arg3[%add3A, %dma_wait3A_25, %dma_wait3A_26] : memref<32x80x128xf32, #tpu.memory_space<hbm>> -> memref<1x80x128xf32, #tpu.memory_space<hbm>>
      %dma_wait3A_28 = tpu.memref_squeeze %dma_wait3A_27 : memref<1x80x128xf32, #tpu.memory_space<hbm>> -> memref<80x128xf32, #tpu.memory_space<hbm>>
      tpu.wait_dma2 semaphore(%run_scoped3A : memref<!tpu.dma_semaphore, #tpu.memory_space<semaphore_mem>>) src(%arg5 : memref<80x128xf32, #tpu.memory_space<vmem>>) dst(%dma_wait3A_28 : memref<80x128xf32, #tpu.memory_space<hbm>>)
      tpu.yield
    }) : () -> ()
    return
  }
}

module attributes {stable_mosaic.version = 14 : i64} {
  func.func @_mm_body(%arg0: i32, %arg1: memref<640x128xf32, #tpu.memory_space<vmem>>, %arg2: memref<128x128xf32, #tpu.memory_space<vmem>>, %arg3: memref<32x640x1xf32, #tpu.memory_space<vmem>>, %arg4: memref<640x128xf32, #tpu.memory_space<vmem>>) attributes {dimension_semantics = [#tpu.dimension_semantics<arbitrary>], iteration_bounds = array<i64: 16>, scalar_prefetch = 0 : i64, scratch_operands = 0 : i64, tpu.core_type = #tpu.core_type<tc>, window_params = [{transform_indices = @transform_0, window_bounds = array<i64: 640, 128>}, {pipeline_mode = #tpu.pipeline_mode<synchronous>, transform_indices = @transform_1, window_bounds = array<i64: 128, 128>}, {transform_indices = @transform_2, window_bounds = array<i64: 32, 640, 1>}, {transform_indices = @transform_3, window_bounds = array<i64: 640, 128>}]} {
    %get3A = arith.constant 0 : index
    %get3A_0 = arith.constant 0 : index
    %get3A_1 = arith.constant 0 : index
    %get3A_2 = vector.load %arg3[%get3A, %get3A_0, %get3A_1] : memref<32x640x1xf32, #tpu.memory_space<vmem>>, vector<32x640x1xf32>
    %get3A_3 = vector.shape_cast %get3A_2 : vector<32x640x1xf32> to vector<32x640xf32>
    %reduce_sum3A = arith.constant dense<0.000000e+00> : vector<640xf32>
    %reduce_sum3A_4 = vector.multi_reduction <add>, %get3A_3, %reduce_sum3A [0] : vector<32x640xf32> to vector<640xf32>
    %add3A = arith.constant 1.000000e+00 : f32
    %add3A_5 = vector.broadcast %add3A : f32 to vector<640xf32>
    %add3A_6 = arith.addf %reduce_sum3A_4, %add3A_5 : vector<640xf32>
    %rsqrt3A = math.rsqrt %add3A_6 : vector<640xf32>
    %get3A_7 = arith.constant 0 : index
    %get3A_8 = arith.constant 0 : index
    %get3A_9 = vector.load %arg1[%get3A_7, %get3A_8] : memref<640x128xf32, #tpu.memory_space<vmem>>, vector<640x128xf32>
    %get3A_10 = arith.constant 0 : index
    %get3A_11 = arith.constant 0 : index
    %get3A_12 = vector.load %arg2[%get3A_10, %get3A_11] : memref<128x128xf32, #tpu.memory_space<vmem>>, vector<128x128xf32>
    %dot_general3A = arith.constant dense<0.000000e+00> : vector<640x128xf32>
    %dot_general3A_13 = tpu.matmul %get3A_9, %get3A_12, %dot_general3A {dimension_numbers = #tpu.dot_dimension_numbers<[1], [0], [0], [1], [0, 0, 1, 1], [], []>, transpose_lhs_hint = false} : vector<640x128xf32>, vector<128x128xf32>, vector<640x128xf32> -> vector<640x128xf32>
    %broadcast_in_dim3A = vector.shape_cast %rsqrt3A : vector<640xf32> to vector<640x1xf32>
    %mul3A = vector.broadcast %broadcast_in_dim3A : vector<640x1xf32> to vector<640x128xf32>
    %mul3A_14 = arith.mulf %dot_general3A_13, %mul3A : vector<640x128xf32>
    %swap3A = arith.constant 0 : index
    %swap3A_15 = arith.constant 0 : index
    %swap3A_16 = vector.load %arg4[%swap3A, %swap3A_15] : memref<640x128xf32, #tpu.memory_space<vmem>>, vector<640x128xf32>
    tpu.vector_store %arg4[%swap3A, %swap3A_15], %mul3A_14 {strides = array<i32>} : memref<640x128xf32, #tpu.memory_space<vmem>>, vector<640x128xf32>,
    return
  }
  func.func @transform_0(%arg0: i32) -> (i32, i32) {
    %c0_i32 = arith.constant 0 : i32
    %c0_i32_0 = arith.constant 0 : i32
    return %arg0, %c0_i32 : i32, i32
  }
  func.func @transform_1(%arg0: i32) -> (i32, i32) {
    %c0_i32 = arith.constant 0 : i32
    %c0_i32_0 = arith.constant 0 : i32
    %c0_i32_1 = arith.constant 0 : i32
    return %c0_i32, %c0_i32_0 : i32, i32
  }
  func.func @transform_2(%arg0: i32) -> (i32, i32, i32) {
    %c0_i32 = arith.constant 0 : i32
    %c0_i32_0 = arith.constant 0 : i32
    %c0_i32_1 = arith.constant 0 : i32
    return %c0_i32, %arg0, %c0_i32_0 : i32, i32, i32
  }
  func.func @transform_3(%arg0: i32) -> (i32, i32) {
    %c0_i32 = arith.constant 0 : i32
    %c0_i32_0 = arith.constant 0 : i32
    return %arg0, %c0_i32 : i32, i32
  }
}

module attributes {stable_mosaic.version = 14 : i64} {
  func.func @_final_body(%arg0: i32, %arg1: memref<2x640x128xf32, #tpu.memory_space<vmem>>, %arg2: memref<640x128xf32, #tpu.memory_space<vmem>>, %arg3: memref<32x640x1xf32, #tpu.memory_space<vmem>>, %arg4: memref<1x128xf32, #tpu.memory_space<vmem>>, %arg5: memref<640x128xf32, #tpu.memory_space<vmem>>) attributes {dimension_semantics = [#tpu.dimension_semantics<arbitrary>], iteration_bounds = array<i64: 16>, scalar_prefetch = 0 : i64, scratch_operands = 0 : i64, tpu.core_type = #tpu.core_type<tc>, window_params = [{transform_indices = @transform_0, window_bounds = array<i64: 2, 640, 128>}, {transform_indices = @transform_1, window_bounds = array<i64: 640, 128>}, {transform_indices = @transform_2, window_bounds = array<i64: 32, 640, 1>}, {pipeline_mode = #tpu.pipeline_mode<synchronous>, transform_indices = @transform_3, window_bounds = array<i64: 1, 128>}, {transform_indices = @transform_4, window_bounds = array<i64: 640, 128>}]} {
    %get3A = arith.constant 0 : index
    %get3A_0 = arith.constant 0 : index
    %get3A_1 = arith.constant 0 : index
    %get3A_2 = vector.load %arg3[%get3A, %get3A_0, %get3A_1] : memref<32x640x1xf32, #tpu.memory_space<vmem>>, vector<32x640x1xf32>
    %get3A_3 = vector.shape_cast %get3A_2 : vector<32x640x1xf32> to vector<32x640xf32>
    %reduce_sum3A = arith.constant dense<0.000000e+00> : vector<640xf32>
    %reduce_sum3A_4 = vector.multi_reduction <add>, %get3A_3, %reduce_sum3A [0] : vector<32x640xf32> to vector<640xf32>
    %add3A = arith.constant 1.000000e+00 : f32
    %add3A_5 = vector.broadcast %add3A : f32 to vector<640xf32>
    %add3A_6 = arith.addf %reduce_sum3A_4, %add3A_5 : vector<640xf32>
    %rsqrt3A = math.rsqrt %add3A_6 : vector<640xf32>
    %get3A_7 = arith.constant 0 : index
    %get3A_8 = arith.constant 0 : index
    %get3A_9 = arith.constant 0 : index
    %get3A_10 = vector.load %arg1[%get3A_7, %get3A_8, %get3A_9] : memref<2x640x128xf32, #tpu.memory_space<vmem>>, vector<1x640x128xf32>
    %get3A_11 = vector.shape_cast %get3A_10 : vector<1x640x128xf32> to vector<640x128xf32>
    %get3A_12 = arith.constant 1 : index
    %get3A_13 = arith.constant 0 : index
    %get3A_14 = arith.constant 0 : index
    %get3A_15 = vector.load %arg1[%get3A_12, %get3A_13, %get3A_14] : memref<2x640x128xf32, #tpu.memory_space<vmem>>, vector<1x640x128xf32>
    %get3A_16 = vector.shape_cast %get3A_15 : vector<1x640x128xf32> to vector<640x128xf32>
    %add3A_17 = arith.addf %get3A_11, %get3A_16 : vector<640x128xf32>
    %get3A_18 = arith.constant 0 : index
    %get3A_19 = arith.constant 0 : index
    %get3A_20 = vector.load %arg2[%get3A_18, %get3A_19] : memref<640x128xf32, #tpu.memory_space<vmem>>, vector<640x128xf32>
    %add3A_21 = arith.addf %add3A_17, %get3A_20 : vector<640x128xf32>
    %broadcast_in_dim3A = vector.shape_cast %rsqrt3A : vector<640xf32> to vector<640x1xf32>
    %mul3A = vector.broadcast %broadcast_in_dim3A : vector<640x1xf32> to vector<640x128xf32>
    %mul3A_22 = arith.mulf %add3A_21, %mul3A : vector<640x128xf32>
    %get3A_23 = arith.constant 0 : index
    %get3A_24 = arith.constant 0 : index
    %get3A_25 = vector.load %arg4[%get3A_23, %get3A_24] : memref<1x128xf32, #tpu.memory_space<vmem>>, vector<1x128xf32>
    %add3A_26 = vector.broadcast %get3A_25 : vector<1x128xf32> to vector<640x128xf32>
    %add3A_27 = arith.addf %mul3A_22, %add3A_26 : vector<640x128xf32>
    %swap3A = arith.constant 0 : index
    %swap3A_28 = arith.constant 0 : index
    %swap3A_29 = vector.load %arg5[%swap3A, %swap3A_28] : memref<640x128xf32, #tpu.memory_space<vmem>>, vector<640x128xf32>
    tpu.vector_store %arg5[%swap3A, %swap3A_28], %add3A_27 {strides = array<i32>} : memref<640x128xf32, #tpu.memory_space<vmem>>, vector<640x128xf32>,
    return
  }
  func.func @transform_0(%arg0: i32) -> (i32, i32, i32) {
    %c0_i32 = arith.constant 0 : i32
    %c0_i32_0 = arith.constant 0 : i32
    %c0_i32_1 = arith.constant 0 : i32
    return %c0_i32, %arg0, %c0_i32_0 : i32, i32, i32
  }
  func.func @transform_1(%arg0: i32) -> (i32, i32) {
    %c0_i32 = arith.constant 0 : i32
    %c0_i32_0 = arith.constant 0 : i32
    return %arg0, %c0_i32 : i32, i32
  }
  func.func @transform_2(%arg0: i32) -> (i32, i32, i32) {
    %c0_i32 = arith.constant 0 : i32
    %c0_i32_0 = arith.constant 0 : i32
    %c0_i32_1 = arith.constant 0 : i32
    return %c0_i32, %arg0, %c0_i32_0 : i32, i32, i32
  }
  func.func @transform_3(%arg0: i32) -> (i32, i32) {
    %c0_i32 = arith.constant 0 : i32
    %c0_i32_0 = arith.constant 0 : i32
    %c0_i32_1 = arith.constant 0 : i32
    return %c0_i32, %c0_i32_0 : i32, i32
  }
  func.func @transform_4(%arg0: i32) -> (i32, i32) {
    %c0_i32 = arith.constant 0 : i32
    %c0_i32_0 = arith.constant 0 : i32
    return %arg0, %c0_i32 : i32, i32
  }
}

</mosaic_0001>

<sc_bundles>
// kernel: kernel.6.cloned.1.call-start
scs
__scs_entry_jumppad:
0x0: {  	(pc) =	sbr.rel $0x88, $3  }
0x1: {  	(tag) =	ssettag $0x0;
	lr =	simm.s32 $0x1  }
0x2: {  	[smem:$0x3F9D] =	sst lr;
	_ =	strace $0xD0000000  }
0x3: {  	_ = 	snop  }
0x4: {  	_ = 	snop  }
0x5: {  	_ = 	snop  }
0x6: {  	_ = 	snop  }
0x7: {  	_ = 	snop  }
__scs_overlays_trampoline_lowered:
0x8: {  	[smem:$0x3FAC] =	sst s0  }
0x9: {  	[smem:$0x3FAD] =	sst s1  }
0xa: {  	[smem:$0x3FAE] =	sst s2  }
0xb: {  	[smem:$0x3FAF] =	sst s3  }
0xc: {  	[smem:$0x3FB0] =	sst s4  }
0xd: {  	[smem:$0x3FB1] =	sst s5  }
0xe: {  	[smem:$0x3FB2] =	sst s6  }
0xf: {  	[smem:$0x3FB3] =	sst s7  }
0x10: {  	[smem:$0x3FB4] =	sst s8  }
0x11: {  	[smem:$0x3FB5] =	sst s9;
	s0 =	simm.s32 @!p0 $0x0  }
0x12: {  	s1 =	sld [smem:$0x3F9B];
	s0 =	simm.s32 @p0 $0x1  }
0x13: {  	[smem:$0x3FB6] =	sst s0;
	s0 =	simm.s32 @!p1 $0x0  }
0x14: {  	s2 =	sld [smem:$0x3F9A];
	s0 =	simm.s32 @p1 $0x1  }
0x15: {  	[smem:$0x3FB7] =	sst s0;
	s0 =	simm.s32 @!p2 $0x0  }
0x16: {  	s3 =	sld [smem:$0x3FDB];
	s0 =	simm.s32 @p2 $0x1  }
0x17: {  	s4 =	simm.s32 $0x1BF5;
	[smem:$0x3FB9] =	sst s0  }
0x18: {  	s0 =	sld [smem:$0x3F9C];
	_ =	swait.ge [sflag:s4], $0x0  }
0x19: {  	s7 =	sld [smem:$0x3F9D]  }
0x1a: {  	s8 =	sadd.s32 $0xFFFFE003, lr  }
0x1b: {  	s9 =	sadd.s32 $0xFFFFFEF7, lr;
	s5 =	simm.s32 $0xFFFFFFFF;
	p2 =	slt.u32 s8, $0xFFFFF086  }
0x1c: {  	p1 =	slt.u32 s9, $0xF7A;
	s5 =	simm.s32 @!p2 $0x0  }
0x1d: {  	s5 =	simm.s32 @p1 $0x1;
	p0 =	seq.s32 s7, s2  }
0x1e: {  	s7 =	smul.u32 @!p0 $0xF7A, s2;
	p2 =	seq.s32 @!p0 s5, $0x0  }
0x1f: {  	s9 =	smul.u32 $0xF7A, s1;
	s8 =	simm.s32 @!p0 $0x1BF5;
	p2 =	por !p2, p0  }
0x20: {  	[sflag:s8] =	ssyncset.s32 @!p0 $0xFFFFF086;
	s6 =	sadd.s32 @!p0 s3, s7;
	s7 =	simm.s32 @!p0 $0x108  }
0x21: {  	s3 =	sadd.s32 s3, s9;
	s6 =	sadd.s32 @!p0 $0x88, s6;
	s7 =	simm.s32 @p2 $0x1082  }
0x22: {  	[simem:s7], [sflag:s8] =	dma.local @!p0 [hbm:s6], $0xF7A  }
0x23: {  	s9 =	sor.u32 $0xD0000000, s2;
	s6 =	simm.s32 $0x108;
	_ =	swait.ge @!p0 [sflag:s8], $0x0  }
0x24: {  	s3 =	sadd.s32 $0x88, s3;
	s6 =	simm.s32 @!p1 $0x1082;
	[sflag:s4] =	ssyncset.s32 $0xFFFFF086  }
0x25: {  	[simem:s6], [sflag:s4] =	dma.local [hbm:s3], $0xF7A  }
0x26: {  	[smem:$0x3F9D] =	sst s1;
	(tag) =	ssettag s2;
	_ =	strace s9  }
0x27: {  	s1 =	sld [smem:$0x3FAD]  }
0x28: {  	s2 =	sld [smem:$0x3FAE]  }
0x29: {  	s4 =	sld [smem:$0x3FB0]  }
0x2a: {  	p0 =	seq.s32 s5, $0x0;
	s5 =	sld [smem:$0x3FB1]  }
0x2b: {  	s6 =	sld [smem:$0x3FB2]  }
0x2c: {  	s7 =	sld [smem:$0x3FB3]  }
0x2d: {  	s3 =	simm.s32 $0x108;
	s8 =	sld [smem:$0x3FB4]  }
0x2e: {  	s3 =	simm.s32 @!p0 $0x1082;
	s9 =	sld [smem:$0x3FB5]  }
0x2f: {  	lr =	sadd.s32 s0, s3;
	s0 =	sld [smem:$0x3FAC]  }
0x30: {  	s3 =	sld [smem:$0x3FAF]  }
0x31: {  	[smem:$0x3FB8] =	sst s10  }
0x32: {  	s10 =	sld [smem:$0x3FB6];
	_ =	sdelay $0x3  }
0x33: {  	p0 =	seq.s32 s10, $0x1;
	s10 =	sld [smem:$0x3FB8];
	_ =	sdelay $0x3  }
0x34: {  	[smem:$0x3FB8] =	sst s10  }
0x35: {  	s10 =	sld [smem:$0x3FB7];
	_ =	sdelay $0x3  }
0x36: {  	p1 =	seq.s32 s10, $0x1;
	s10 =	sld [smem:$0x3FB8];
	_ =	sdelay $0x3  }
0x37: {  	[smem:$0x3FB8] =	sst s10  }
0x38: {  	s10 =	sld [smem:$0x3FB9]  }
0x39: {  	_ = 	snop;
	(pc) =	sbr.ind lr, $3  }
0x3a: {  	_ = 	snop  }
0x3b: {  	_ = 	snop  }
0x3c: {  	p2 =	seq.s32 s10, $0x1;
	s10 =	sld [smem:$0x3FB8]  }
0x3d: {  	_ =	shalt  }
0x3e: {  	_ =	shalt  }
0x3f: {  	_ =	shalt  }
0x40: {  	_ =	shalt  }
0x41: {  	_ =	shalt  }
0x42: {  	_ =	shalt  }
0x43: {  	_ =	shalt  }
0x44: {  	_ =	shalt  }
0x45: {  	_ =	shalt  }
0x46: {  	_ =	shalt  }
0x47: {  	_ =	shalt  }
0x48: {  	_ =	shalt  }
0x49: {  	_ =	shalt  }
0x4a: {  	_ =	shalt  }
0x4b: {  	_ =	shalt  }
0x4c: {  	_ =	shalt  }
0x4d: {  	_ =	shalt  }
0x4e: {  	_ =	shalt  }
0x4f: {  	_ =	shalt  }
0x50: {  	_ =	shalt  }
0x51: {  	_ =	shalt  }
0x52: {  	_ =	shalt  }
0x53: {  	_ =	shalt  }
0x54: {  	_ =	shalt  }
0x55: {  	_ =	shalt  }
0x56: {  	_ =	shalt  }
0x57: {  	_ =	shalt  }
0x58: {  	_ =	shalt  }
0x59: {  	_ =	shalt  }
0x5a: {  	_ =	shalt  }
0x5b: {  	_ =	shalt  }
0x5c: {  	_ =	shalt  }
0x5d: {  	_ =	shalt  }
0x5e: {  	_ =	shalt  }
0x5f: {  	_ =	shalt  }
0x60: {  	_ =	shalt  }
0x61: {  	_ =	shalt  }
0x62: {  	_ =	shalt  }
0x63: {  	_ =	shalt  }
0x64: {  	_ =	shalt  }
0x65: {  	_ =	shalt  }
0x66: {  	_ =	shalt  }
0x67: {  	_ =	shalt  }
0x68: {  	_ =	shalt  }
0x69: {  	_ =	shalt  }
0x6a: {  	_ =	shalt  }
0x6b: {  	_ =	shalt  }
0x6c: {  	_ =	shalt  }
0x6d: {  	_ =	shalt  }
0x6e: {  	_ =	shalt  }
0x6f: {  	_ =	shalt  }
0x70: {  	_ =	shalt  }
0x71: {  	_ =	shalt  }
0x72: {  	_ =	shalt  }
0x73: {  	_ =	shalt  }
0x74: {  	_ =	shalt  }
0x75: {  	_ =	shalt  }
0x76: {  	_ =	shalt  }
0x77: {  	_ =	shalt  }
0x78: {  	_ =	shalt  }
0x79: {  	_ =	shalt  }
0x7a: {  	_ =	shalt  }
0x7b: {  	_ =	shalt  }
0x7c: {  	_ =	shalt  }
0x7d: {  	_ =	shalt  }
0x7e: {  	_ =	shalt  }
0x7f: {  	_ =	shalt  }
0x80: {  	_ =	shalt  }
0x81: {  	_ =	shalt  }
0x82: {  	_ =	shalt  }
0x83: {  	_ =	shalt  }
0x84: {  	_ =	shalt  }
0x85: {  	_ =	shalt  }
0x86: {  	_ =	shalt  }
0x87: {  	_ =	shalt  }
.Lfunc_end0:
.L_simem_size_0:
called_computation_lowered:
.L_overlay_start_0:
0x88: {  	s2 =	sld [smem:$0x3FD9]  }
0x89: {  	s3 =	sld [smem:$0x3FFE];
	_ =	sdelay $0x1  }
0x8a: {  	s1 =	srdreg.scid  }
0x8b: {  	s0 =	sand.u32 $0x1, s1  }
0x8c: {  	s17 =	sshll.u32 s0, $0xA;
	s2 =	sadd.s32 s3, s2  }
0x8d: {  	s2 =	sadd.s32 s2, s17  }
0x8e: {  	[smem:$0x3FC4] =	sst s2  }
0x8f: {  	_ = 	snop  }
0x90: {  	s2 =	sld [smem:$0x3FD0];
	(tm) =	ssettm $0x1  }
0x91: {  	s18 =	sld [smem:$0x3FFB];
	_ =	sdelay $0x3  }
0x92: {  	_ =	strace s18  }
0x93: {  	s3 =	sld [smem:$0x3FFC];
	_ =	sdelay $0x3  }
0x94: {  	_ =	strace s3  }
0x95: {  	s3 =	sld [smem:$0x3FFD];
	_ =	sdelay $0x3  }
0x96: {  	_ =	strace s3  }
0x97: {  	_ =	strace $0x8FFFFFFF  }
0x98: {  	s19 =	sld [smem:$0x3FDB];
	_ =	sdelay $0x1  }
0x99: {  	s4 =	simm.s32 $_scs_section_size  }
0x9a: {  	s5 =	simm.s32 $_size__tile_overlayer_lowered;
	s6 =	simm.s32 $_tile_overlayer_lowered  }
0x9b: {  	s22 =	simm.s32 $0x1BFF;
	s21 =	sshll.u32 s6, $0x1;
	s3 =	sadd.s32 s4, s19  }
0x9c: {  	s7 =	simm.s32 $0x0;
	s20 =	sshll.u32 s5, $0x1;
	s5 =	sadd.s32 s21, s3  }
0x9d: {  	[timem:s7], [sflag:s22] =	dma.local [hbm:s5], s20  }
0x9e: {  	_ =	swait.ge [sflag:s22], s20  }
0x9f: {  	s4 =	ssub.s32 $0x0, s20;
	[sflag:s22] =	ssyncset.done $0x0  }
0xa0: {  	[sflag:s22] =	ssyncadd.s32 s4;
	_ =	sdelay $0x1  }
0xa1: {  	s23 =	simm.s32 $0x1B8B  }
0xa2: {  	_ =	swait.ge [sflag:s23], $0x1  }
0xa3: {  	[sflag:s23] =	ssyncset.done $0x0  }
0xa4: {  	s25 =	simm.s32 $0x1B8E;
	s24 =	sld [smem:$0x3FFE];
	[sflag:s23] =	ssyncadd.s32 $0xFFFFFFFF  }
0xa5: {  	s26 =	simm.s32 $execute0_lowered;
	[smem:$0x3FD2] =	sst s25  }
0xa6: {  	s5 =	sshll.u32 s26, $0x1;
	_ =	strace $0x80000046;
	[dreg:$0x1] =	wrdreg $0xFFFFFFFF  }
0xa7: {  	s28 =	simm.s32 $_size_execute0_lowered;
	s3 =	sadd.s32 s3, s5;
	[dreg:$0x0] =	wrdreg $0x0  }
0xa8: {  	s5 =	sshll.u32 s28, $0x1;
	[dreg:$0x2] =	wrdreg s3  }
0xa9: {  	[dreg:$0x3] =	wrdreg s5  }
0xaa: {  	[dreg:$0x4] =	wrdreg $0xC0  }
0xab: {  	_ =	task [dreg:s7], $0x5FFFF  }
0xac: {  	[dreg:$0x1] =	wrdreg $0xFFFFFFFF  }
0xad: {  	[dreg:$0x0] =	wrdreg $0x60  }
0xae: {  	[dreg:$0x2] =	wrdreg s2  }
0xaf: {  	[dreg:$0x3] =	wrdreg s24  }
0xb0: {  	[dreg:$0x4] =	wrdreg $0x9  }
0xb1: {  	_ =	task.clear_ibuf [dreg:s7], $0x5FFFF;
	_ =	strace $0x90000046  }
0xb2: {  	s29 =	simm.s32 $0x9;
	_ =	strace $0x80000048  }
0xb3: {  	_ =	swait.ge [sflag:s29], $0x1  }
0xb4: {  	[sflag:s29] =	ssyncadd.s32 $0xFFFFFFFF  }
0xb5: {  	_ =	strace $0x90000048  }
0xb6: {  	_ =	sfence  }
0xb7: {  	s30 =	sld [smem:$0x0];
	_ =	sdelay $0x2  }
0xb8: {  	s31 =	sshll.u32 s1, $0xD;
	s1 =	sshrl.u32 s1, $0x2  }
0xb9: {  	s3 =	sand.u32 $0x4000, s31;
	s1 =	sadd.s32 s1, s30  }
0xba: {  	s0 =	sor.u32 s3, s0;
	s1 =	sshll.u32 s1, $0x11  }
0xbb: {  	s0 =	sor.u32 s1, s0  }
0xbc: {  	s0 =	sadd.s32 $0x8F2B, s0  }
0xbd: {  	[sflag:s0] =	ssyncadd.remote.s32 $0x1  }
0xbe: {  	_ =	sfence.sel $0xFFFF  }
0xbf: {  	[dreg:$0x0] =	wrdreg $0xFFFFFFFF;
	(pc) =	sbr.abs _section_cstart, $3  }
0xc0: {  	[dreg:$0x1] =	wrdreg $0xFFFFFFFF  }
0xc1: {  	_ =	task.clear_ibuf [dreg:s7], $0x2FFFF;
	_ =	strace $0x9FFFFFFF  }
0xc2: {  	(tm) =	ssettm $0x7FFFFFFF  }
0xc3: {  	_ =	shalt  }
tec
execute0_lowered:
.L_overlay_start_1:
0x0: {  	(tag) =	ssettag $0x1  }
0x1: {  	s0 =	srdreg.scid;
	s3 =	rddreg [dreg:$0x0]  }
0x2: {  	s5 =	rddreg [dreg:$0x1];
	s4 =	sand.u32 $0x1, s0  }
0x3: {  	s1 =	stileid.u32;
	s8 =	simm.s32 $0x0;
	s2 =	sshll.u32 s4, $0x4  }
0x4: {  	s4 =	ssub.s32 $0x2, s4;
	s6 =	sor.u32 s1, s2;
	s2 =	simm.s32 $0x0  }
0x5: {  	s7 =	sshrl.u32 s4, $0x1;
	s6 =	smul.u32 $0x500, s6;
	[smem:$0x7FF] =	sst s2  }
0x6: {  	s0 =	rddreg [dreg:$0x2];
	s7 =	ssub.s32 s4, s7;
	_ =	strace $0x80000047  }
0x7: {  	s5 =	sadd.s32 s6, s5;
	s3 =	sadd.s32 s3, s6;
	s6 =	simm.s32 $0x1  }
0x8: {  	v0 =	vimm.f32 $0.0e+00;
	v1 =	vimm.f32 $1.000000000e+00;
	s4 =	sadd.s32 $0x1800, s5;
	s5 =	smax.u32 s7, $0x1;
	s7 =	simm.s32 $0x2800  }
.LBB2_1:
0x9: {  	[tilespmem:s2], [sflag:$0x1] =	stream.linear.gather [hbm4b:s3+s2], $0x2780, $0x38;
	[tilespmem:$0x5000] =	vst v63  }
0xa: {  	_ =	swait.ge [sflag:s6], $0x2780  }
0xb: {  	[sflag:s6] =	ssyncset.done $0x0  }
0xc: {  	s9 =	simm.s32 $0x0;
	s10 =	simm.s32 $0x200;
	[sflag:s6] =	ssyncadd.s32 $0xFFFFD880  }
.LBB2_2:
0xd: {  	p0 =	sne.s32 s10, $0x9E00;
	[tilespmem:s9+$0x2870] =	vst v0  }
0xe: {  	[tilespmem:s9+$0x2800] =	vst v0  }
0xf: {  	[tilespmem:s9+$0x2810] =	vst v0  }
.Ltmp0:
0x10: {  	[tilespmem:s9+$0x2820] =	vst v0;
	(pc) =	sbr.rel @p0 .LBB2_2-.Ltmp0, $4  }
0x11: {  	[tilespmem:s9+$0x2830] =	vst v0  }
0x12: {  	[tilespmem:s9+$0x2840] =	vst v0  }
0x13: {  	[tilespmem:s9+$0x2850] =	vst v0  }
0x14: {  	[tilespmem:s9+$0x2860] =	vst v0;
	s9 =	sshra.s32 s10, $0x2;
	s10 =	sadd.s32 $0x200, s10  }
0x15: {  	[tilespmem:s9+$0x2870] =	vst v0  }
0x16: {  	[tilespmem:s9+$0x2800] =	vst v0  }
0x17: {  	[tilespmem:s9+$0x2810] =	vst v0  }
0x18: {  	[tilespmem:s9+$0x2820] =	vst v0  }
0x19: {  	[tilespmem:s9+$0x2830] =	vst v0  }
0x1a: {  	[tilespmem:s9+$0x2840] =	vst v0  }
0x1b: {  	[tilespmem:s9+$0x2850] =	vst v0  }
0x1c: {  	[tilespmem:s9+$0x2860] =	vst v0;
	s9 =	simm.s32 $0x0  }
.LBB2_4:
0x1d: {  	s10 =	sshra.s32 s9, $0x2  }
0x1e: {  	v2 =	vld [tilespmem:s10+$0x0];
	_ =	sdelay $0x7  }
0x1f: {  	[tilespmem:v2+s7+$0x0] =	vst.idx.add.f32.msk $0xffff, v1  }
0x20: {  	v2 =	vld [tilespmem:s10+$0x10];
	_ =	sdelay $0x7  }
0x21: {  	[tilespmem:v2+s7+$0x0] =	vst.idx.add.f32.msk $0xffff, v1  }
0x22: {  	v2 =	vld [tilespmem:s10+$0x20];
	_ =	sdelay $0x7  }
0x23: {  	[tilespmem:v2+s7+$0x0] =	vst.idx.add.f32.msk $0xffff, v1  }
0x24: {  	v2 =	vld [tilespmem:s10+$0x30];
	_ =	sdelay $0x7  }
0x25: {  	[tilespmem:v2+s7+$0x0] =	vst.idx.add.f32.msk $0xffff, v1  }
0x26: {  	v2 =	vld [tilespmem:s10+$0x40];
	_ =	sdelay $0x7  }
0x27: {  	[tilespmem:v2+s7+$0x0] =	vst.idx.add.f32.msk $0xffff, v1  }
0x28: {  	v2 =	vld [tilespmem:s10+$0x50];
	_ =	sdelay $0x7  }
0x29: {  	[tilespmem:v2+s7+$0x0] =	vst.idx.add.f32.msk $0xffff, v1  }
0x2a: {  	v2 =	vld [tilespmem:s10+$0x60];
	_ =	sdelay $0x7  }
0x2b: {  	[tilespmem:v2+s7+$0x0] =	vst.idx.add.f32.msk $0xffff, v1  }
0x2c: {  	v2 =	vld [tilespmem:s10+$0x70];
	_ =	sdelay $0x2  }
0x2d: {  	p0 =	sne.s32 s9, $0x9C00  }
.Ltmp1:
0x2e: {  	_ = 	snop;
	(pc) =	sbr.rel @p0 .LBB2_4-.Ltmp1, $2  }
0x2f: {  	_ =	sdelay $0x2  }
0x30: {  	s9 =	sadd.s32 $0x200, s9;
	[tilespmem:v2+s7+$0x0] =	vst.idx.add.f32.msk $0xffff, v1  }
0x31: {  	s8 =	sadd.s32 $0x1, s8  }
0x32: {  	p0 =	sne.s32 s8, s5  }
.Ltmp2:
0x33: {  	_ = 	snop;
	(pc) =	sbr.rel @p0 .LBB2_1-.Ltmp2, $4  }
0x34: {  	[hbm4b:s4+s2] =	stream.linear.scatter [tilespmem:s7], [sflag:$0x1], $0x2800, $0x38;
	[tilespmem:$0x5000] =	vst v63  }
0x35: {  	_ =	swait.ge [sflag:s6], $0x2800  }
0x36: {  	[sflag:s6] =	ssyncset.done $0x0  }
0x37: {  	[sflag:s6] =	ssyncadd.s32 $0xFFFFD800  }
0x38: {  	_ =	sfence.sel $0x180000  }
0x39: {  	[bflag:$0x0] =	sbarrier.arrive $0xFFFF  }
0x3a: {  	p0 =	sne.s32 s1, $0x0;
	_ =	strace $0x90000047  }
0x3b: {  	s0 =	sadd.s32 @!p0 $0x100000, s0;
	[bflag:$0x2] =	sbarrier.arrive $0xFFFF  }
0x3c: {  	[sflag:s0] =	ssyncadd.tile.s32 @!p0 $0x1;
	_ =	shalt  }
.Lfunc_end2:
_tile_overlayer_lowered:
.L_overlay_start_2:
0x3d: {  	(tag) =	ssettag $0x2  }
0x3e: {  	s0 =	rddreg [dreg:$0x0];
	s2 =	stileid.u32  }
0x3f: {  	s1 =	rddreg [dreg:$0x1];
	p0 =	sne.s32 s2, $0x0  }
0x40: {  	s3 =	rddreg [dreg:$0x2];
	[bflag:$0x3] =	sbarrier.arrive $0xFFFF;
	s2 =	simm.s32 @!p0 $0x1C01  }
0x41: {  	[timem:s3], [sflag:s2] =	dma.local @!p0 [hbm:s0], s1  }
0x42: {  	s0 =	simm.s32 @!p0 $0x1  }
0x43: {  	_ =	swait.ge @!p0 [sflag:s0], s1  }
0x44: {  	s1 =	ssub.s32 @!p0 $0x0, s1;
	[sflag:s0] =	ssyncset.done @!p0 $0x0  }
0x45: {  	[sflag:s0] =	ssyncadd.s32 @!p0 s1  }
0x46: {  	[bflag:$0x3] =	sbarrier.arrive $0xFFFF  }
0x47: {  	_ =	shalt  }

// kernel: kernel.9.cloned.1.call-start
scs
__scs_entry_jumppad:
0x0: {  	(pc) =	sbr.rel $0x88, $3  }
0x1: {  	(tag) =	ssettag $0x0;
	lr =	simm.s32 $0x1  }
0x2: {  	[smem:$0x3F9D] =	sst lr;
	_ =	strace $0xD0000000  }
0x3: {  	_ = 	snop  }
0x4: {  	_ = 	snop  }
0x5: {  	_ = 	snop  }
0x6: {  	_ = 	snop  }
0x7: {  	_ = 	snop  }
__scs_overlays_trampoline_lowered:
0x8: {  	[smem:$0x3FAC] =	sst s0  }
0x9: {  	[smem:$0x3FAD] =	sst s1  }
0xa: {  	[smem:$0x3FAE] =	sst s2  }
0xb: {  	[smem:$0x3FAF] =	sst s3  }
0xc: {  	[smem:$0x3FB0] =	sst s4  }
0xd: {  	[smem:$0x3FB1] =	sst s5  }
0xe: {  	[smem:$0x3FB2] =	sst s6  }
0xf: {  	[smem:$0x3FB3] =	sst s7  }
0x10: {  	[smem:$0x3FB4] =	sst s8  }
0x11: {  	[smem:$0x3FB5] =	sst s9;
	s0 =	simm.s32 @!p0 $0x0  }
0x12: {  	s1 =	sld [smem:$0x3F9B];
	s0 =	simm.s32 @p0 $0x1  }
0x13: {  	[smem:$0x3FB6] =	sst s0;
	s0 =	simm.s32 @!p1 $0x0  }
0x14: {  	s2 =	sld [smem:$0x3F9A];
	s0 =	simm.s32 @p1 $0x1  }
0x15: {  	[smem:$0x3FB7] =	sst s0;
	s0 =	simm.s32 @!p2 $0x0  }
0x16: {  	s3 =	sld [smem:$0x3FDB];
	s0 =	simm.s32 @p2 $0x1  }
0x17: {  	s4 =	simm.s32 $0x1BF5;
	[smem:$0x3FB9] =	sst s0  }
0x18: {  	s0 =	sld [smem:$0x3F9C];
	_ =	swait.ge [sflag:s4], $0x0  }
0x19: {  	s7 =	sld [smem:$0x3F9D]  }
0x1a: {  	s8 =	sadd.s32 $0xFFFFE003, lr  }
0x1b: {  	s9 =	sadd.s32 $0xFFFFFEF7, lr;
	s5 =	simm.s32 $0xFFFFFFFF;
	p2 =	slt.u32 s8, $0xFFFFF086  }
0x1c: {  	p1 =	slt.u32 s9, $0xF7A;
	s5 =	simm.s32 @!p2 $0x0  }
0x1d: {  	s5 =	simm.s32 @p1 $0x1;
	p0 =	seq.s32 s7, s2  }
0x1e: {  	s7 =	smul.u32 @!p0 $0xF7A, s2;
	p2 =	seq.s32 @!p0 s5, $0x0  }
0x1f: {  	s9 =	smul.u32 $0xF7A, s1;
	s8 =	simm.s32 @!p0 $0x1BF5;
	p2 =	por !p2, p0  }
0x20: {  	[sflag:s8] =	ssyncset.s32 @!p0 $0xFFFFF086;
	s6 =	sadd.s32 @!p0 s3, s7;
	s7 =	simm.s32 @!p0 $0x108  }
0x21: {  	s3 =	sadd.s32 s3, s9;
	s6 =	sadd.s32 @!p0 $0x88, s6;
	s7 =	simm.s32 @p2 $0x1082  }
0x22: {  	[simem:s7], [sflag:s8] =	dma.local @!p0 [hbm:s6], $0xF7A  }
0x23: {  	s9 =	sor.u32 $0xD0000000, s2;
	s6 =	simm.s32 $0x108;
	_ =	swait.ge @!p0 [sflag:s8], $0x0  }
0x24: {  	s3 =	sadd.s32 $0x88, s3;
	s6 =	simm.s32 @!p1 $0x1082;
	[sflag:s4] =	ssyncset.s32 $0xFFFFF086  }
0x25: {  	[simem:s6], [sflag:s4] =	dma.local [hbm:s3], $0xF7A  }
0x26: {  	[smem:$0x3F9D] =	sst s1;
	(tag) =	ssettag s2;
	_ =	strace s9  }
0x27: {  	s1 =	sld [smem:$0x3FAD]  }
0x28: {  	s2 =	sld [smem:$0x3FAE]  }
0x29: {  	s4 =	sld [smem:$0x3FB0]  }
0x2a: {  	p0 =	seq.s32 s5, $0x0;
	s5 =	sld [smem:$0x3FB1]  }
0x2b: {  	s6 =	sld [smem:$0x3FB2]  }
0x2c: {  	s7 =	sld [smem:$0x3FB3]  }
0x2d: {  	s3 =	simm.s32 $0x108;
	s8 =	sld [smem:$0x3FB4]  }
0x2e: {  	s3 =	simm.s32 @!p0 $0x1082;
	s9 =	sld [smem:$0x3FB5]  }
0x2f: {  	lr =	sadd.s32 s0, s3;
	s0 =	sld [smem:$0x3FAC]  }
0x30: {  	s3 =	sld [smem:$0x3FAF]  }
0x31: {  	[smem:$0x3FB8] =	sst s10  }
0x32: {  	s10 =	sld [smem:$0x3FB6];
	_ =	sdelay $0x3  }
0x33: {  	p0 =	seq.s32 s10, $0x1;
	s10 =	sld [smem:$0x3FB8];
	_ =	sdelay $0x3  }
0x34: {  	[smem:$0x3FB8] =	sst s10  }
0x35: {  	s10 =	sld [smem:$0x3FB7];
	_ =	sdelay $0x3  }
0x36: {  	p1 =	seq.s32 s10, $0x1;
	s10 =	sld [smem:$0x3FB8];
	_ =	sdelay $0x3  }
0x37: {  	[smem:$0x3FB8] =	sst s10  }
0x38: {  	s10 =	sld [smem:$0x3FB9]  }
0x39: {  	_ = 	snop;
	(pc) =	sbr.ind lr, $3  }
0x3a: {  	_ = 	snop  }
0x3b: {  	_ = 	snop  }
0x3c: {  	p2 =	seq.s32 s10, $0x1;
	s10 =	sld [smem:$0x3FB8]  }
0x3d: {  	_ =	shalt  }
0x3e: {  	_ =	shalt  }
0x3f: {  	_ =	shalt  }
0x40: {  	_ =	shalt  }
0x41: {  	_ =	shalt  }
0x42: {  	_ =	shalt  }
0x43: {  	_ =	shalt  }
0x44: {  	_ =	shalt  }
0x45: {  	_ =	shalt  }
0x46: {  	_ =	shalt  }
0x47: {  	_ =	shalt  }
0x48: {  	_ =	shalt  }
0x49: {  	_ =	shalt  }
0x4a: {  	_ =	shalt  }
0x4b: {  	_ =	shalt  }
0x4c: {  	_ =	shalt  }
0x4d: {  	_ =	shalt  }
0x4e: {  	_ =	shalt  }
0x4f: {  	_ =	shalt  }
0x50: {  	_ =	shalt  }
0x51: {  	_ =	shalt  }
0x52: {  	_ =	shalt  }
0x53: {  	_ =	shalt  }
0x54: {  	_ =	shalt  }
0x55: {  	_ =	shalt  }
0x56: {  	_ =	shalt  }
0x57: {  	_ =	shalt  }
0x58: {  	_ =	shalt  }
0x59: {  	_ =	shalt  }
0x5a: {  	_ =	shalt  }
0x5b: {  	_ =	shalt  }
0x5c: {  	_ =	shalt  }
0x5d: {  	_ =	shalt  }
0x5e: {  	_ =	shalt  }
0x5f: {  	_ =	shalt  }
0x60: {  	_ =	shalt  }
0x61: {  	_ =	shalt  }
0x62: {  	_ =	shalt  }
0x63: {  	_ =	shalt  }
0x64: {  	_ =	shalt  }
0x65: {  	_ =	shalt  }
0x66: {  	_ =	shalt  }
0x67: {  	_ =	shalt  }
0x68: {  	_ =	shalt  }
0x69: {  	_ =	shalt  }
0x6a: {  	_ =	shalt  }
0x6b: {  	_ =	shalt  }
0x6c: {  	_ =	shalt  }
0x6d: {  	_ =	shalt  }
0x6e: {  	_ =	shalt  }
0x6f: {  	_ =	shalt  }
0x70: {  	_ =	shalt  }
0x71: {  	_ =	shalt  }
0x72: {  	_ =	shalt  }
0x73: {  	_ =	shalt  }
0x74: {  	_ =	shalt  }
0x75: {  	_ =	shalt  }
0x76: {  	_ =	shalt  }
0x77: {  	_ =	shalt  }
0x78: {  	_ =	shalt  }
0x79: {  	_ =	shalt  }
0x7a: {  	_ =	shalt  }
0x7b: {  	_ =	shalt  }
0x7c: {  	_ =	shalt  }
0x7d: {  	_ =	shalt  }
0x7e: {  	_ =	shalt  }
0x7f: {  	_ =	shalt  }
0x80: {  	_ =	shalt  }
0x81: {  	_ =	shalt  }
0x82: {  	_ =	shalt  }
0x83: {  	_ =	shalt  }
0x84: {  	_ =	shalt  }
0x85: {  	_ =	shalt  }
0x86: {  	_ =	shalt  }
0x87: {  	_ =	shalt  }
.Lfunc_end0:
.L_simem_size_0:
called_computation.1_lowered:
.L_overlay_start_0:
0x88: {  	s2 =	sld [smem:$0x3FD9]  }
0x89: {  	s3 =	sld [smem:$0x3FFE];
	_ =	sdelay $0x1  }
0x8a: {  	s1 =	srdreg.scid  }
0x8b: {  	s0 =	sand.u32 $0x1, s1  }
0x8c: {  	s17 =	sshll.u32 s0, $0xA;
	s2 =	sadd.s32 s3, s2  }
0x8d: {  	s2 =	sadd.s32 s2, s17  }
0x8e: {  	[smem:$0x3FC4] =	sst s2  }
0x8f: {  	_ = 	snop  }
0x90: {  	s2 =	sld [smem:$0x3FD0];
	(tm) =	ssettm $0x1  }
0x91: {  	s18 =	sld [smem:$0x3FFB];
	_ =	sdelay $0x3  }
0x92: {  	_ =	strace s18  }
0x93: {  	s3 =	sld [smem:$0x3FFC];
	_ =	sdelay $0x3  }
0x94: {  	_ =	strace s3  }
0x95: {  	s3 =	sld [smem:$0x3FFD];
	_ =	sdelay $0x3  }
0x96: {  	_ =	strace s3  }
0x97: {  	_ =	strace $0x8FFFFFFF  }
0x98: {  	s19 =	sld [smem:$0x3FDB];
	_ =	sdelay $0x1  }
0x99: {  	s4 =	simm.s32 $_scs_section_size  }
0x9a: {  	s5 =	simm.s32 $_size__tile_overlayer_lowered;
	s6 =	simm.s32 $_tile_overlayer_lowered  }
0x9b: {  	s22 =	simm.s32 $0x1BFF;
	s21 =	sshll.u32 s6, $0x1;
	s3 =	sadd.s32 s4, s19  }
0x9c: {  	s7 =	simm.s32 $0x0;
	s20 =	sshll.u32 s5, $0x1;
	s5 =	sadd.s32 s21, s3  }
0x9d: {  	[timem:s7], [sflag:s22] =	dma.local [hbm:s5], s20  }
0x9e: {  	_ =	swait.ge [sflag:s22], s20  }
0x9f: {  	s4 =	ssub.s32 $0x0, s20;
	[sflag:s22] =	ssyncset.done $0x0  }
0xa0: {  	[sflag:s22] =	ssyncadd.s32 s4;
	_ =	sdelay $0x1  }
0xa1: {  	s23 =	simm.s32 $0x1B8B  }
0xa2: {  	_ =	swait.ge [sflag:s23], $0x1  }
0xa3: {  	[sflag:s23] =	ssyncset.done $0x0  }
0xa4: {  	s25 =	simm.s32 $0x1B8E;
	s24 =	sld [smem:$0x3FFE];
	[sflag:s23] =	ssyncadd.s32 $0xFFFFFFFF  }
0xa5: {  	s26 =	simm.s32 $execute0_lowered;
	[smem:$0x3FD2] =	sst s25  }
0xa6: {  	s5 =	sshll.u32 s26, $0x1;
	_ =	strace $0x80000049;
	[dreg:$0x1] =	wrdreg $0xFFFFFFFF  }
0xa7: {  	s28 =	simm.s32 $_size_execute0_lowered;
	s3 =	sadd.s32 s3, s5;
	[dreg:$0x0] =	wrdreg $0x0  }
0xa8: {  	s5 =	sshll.u32 s28, $0x1;
	[dreg:$0x2] =	wrdreg s3  }
0xa9: {  	[dreg:$0x3] =	wrdreg s5  }
0xaa: {  	[dreg:$0x4] =	wrdreg $0xC0  }
0xab: {  	_ =	task [dreg:s7], $0x5FFFF  }
0xac: {  	[dreg:$0x1] =	wrdreg $0xFFFFFFFF  }
0xad: {  	[dreg:$0x0] =	wrdreg $0x60  }
0xae: {  	[dreg:$0x2] =	wrdreg s24  }
0xaf: {  	[dreg:$0x3] =	wrdreg s2  }
0xb0: {  	[dreg:$0x4] =	wrdreg $0x90000  }
0xb1: {  	[dreg:$0x5] =	wrdreg $0x9  }
0xb2: {  	_ =	task.clear_ibuf [dreg:s7], $0x6FFFF;
	_ =	strace $0x90000049  }
0xb3: {  	s29 =	simm.s32 $0x9;
	_ =	strace $0x8000004B  }
0xb4: {  	_ =	swait.ge [sflag:s29], $0x1  }
0xb5: {  	[sflag:s29] =	ssyncadd.s32 $0xFFFFFFFF  }
0xb6: {  	_ =	strace $0x9000004B  }
0xb7: {  	_ =	sfence  }
0xb8: {  	s30 =	sld [smem:$0x0];
	_ =	sdelay $0x2  }
0xb9: {  	s31 =	sshll.u32 s1, $0xD;
	s1 =	sshrl.u32 s1, $0x2  }
0xba: {  	s3 =	sand.u32 $0x4000, s31;
	s1 =	sadd.s32 s1, s30  }
0xbb: {  	s0 =	sor.u32 s3, s0;
	s1 =	sshll.u32 s1, $0x11  }
0xbc: {  	s0 =	sor.u32 s1, s0  }
0xbd: {  	s0 =	sadd.s32 $0x8F2B, s0  }
0xbe: {  	[sflag:s0] =	ssyncadd.remote.s32 $0x1  }
0xbf: {  	_ =	sfence.sel $0xFFFF  }
0xc0: {  	[dreg:$0x0] =	wrdreg $0xFFFFFFFF;
	(pc) =	sbr.abs _section_cstart, $3  }
0xc1: {  	[dreg:$0x1] =	wrdreg $0xFFFFFFFF  }
0xc2: {  	_ =	task.clear_ibuf [dreg:s7], $0x2FFFF;
	_ =	strace $0x9FFFFFFF  }
0xc3: {  	(tm) =	ssettm $0x7FFFFFFF  }
tec
execute0_lowered:
.L_overlay_start_1:
0x0: {  	(tag) =	ssettag $0x1  }
0x1: {  	s6 =	rddreg [dreg:$0x0]  }
0x2: {  	s7 =	rddreg [dreg:$0x1]  }
0x3: {  	s1 =	rddreg [dreg:$0x2];
	s2 =	srdreg.scid  }
0x4: {  	s0 =	rddreg [dreg:$0x3];
	s5 =	sand.u32 $0x1, s2  }
0x5: {  	s3 =	simm.s32 $0x0;
	s2 =	stileid.u32;
	s9 =	smul.u32 $0x28000, s5  }
0x6: {  	[smem:$0x7FF] =	sst s3;
	s4 =	sshll.u32 s5, $0x4;
	s12 =	smul.u32 $0x280, s2  }
0x7: {  	_ =	strace $0x8000004A;
	s11 =	ssub.s32 $0x2, s5;
	s14 =	smul.u32 $0x50000, s2  }
0x8: {  	s5 =	sadd.s32 $0x1800, s6;
	s19 =	smul.u32 $0x2800, s2;
	s4 =	sor.u32 s2, s4  }
0x9: {  	s13 =	sshrl.u32 s11, $0x1;
	s8 =	smul.u32 $0x500, s4;
	s4 =	sadd.s32 $0x515800, s6  }
0xa: {  	s15 =	sadd.s32 s9, s6;
	s13 =	ssub.s32 s11, s13;
	s16 =	sadd.s32 $0x80, s12  }
0xb: {  	s26 =	sshrl.u32 s14, $0x2;
	s29 =	sadd.s32 $0x100, s12;
	s17 =	sadd.s32 $0x180, s12  }
0xc: {  	s18 =	sadd.s32 $0x200, s12;
	s14 =	simm.s32 $0x2;
	s28 =	sshll.u32 s16, $0x7  }
0xd: {  	s30 =	sshll.u32 s29, $0x7;
	s31 =	sshll.u32 s17, $0x7;
	s12 =	sshll.u32 s18, $0x7  }
0xe: {  	s23 =	sadd.s32 $0x53D800, s15;
	s20 =	sshll.u32 s16, $0x4;
	s21 =	sshll.u32 s29, $0x4  }
0xf: {  	s22 =	sshll.u32 s17, $0x4;
	s24 =	sshll.u32 s18, $0x4;
	s13 =	smax.u32 s13, $0x1  }
0x10: {  	s15 =	simm.s32 $0x2800;
	s16 =	simm.s32 $0x5000;
	s17 =	simm.s32 $0x80  }
0x11: {  	s18 =	simm.s32 $0x1;
	s10 =	sadd.s32 s8, s6;
	s7 =	sadd.s32 s7, s8  }
0x12: {  	s8 =	sadd.s32 s26, s1;
	s9 =	sadd.s32 s28, s1;
	s11 =	sadd.s32 s31, s1  }
0x13: {  	s12 =	sadd.s32 s12, s1;
	s19 =	sadd.s32 s19, s23;
	s20 =	sadd.s32 s20, s23  }
0x14: {  	s21 =	sadd.s32 s21, s23;
	s22 =	sadd.s32 s22, s23;
	s23 =	sadd.s32 s24, s23  }
0x15: {  	s24 =	simm.s32 $0x0;
	s6 =	sadd.s32 $0xB800, s10;
	s10 =	sadd.s32 s30, s1  }
.LBB2_1:
0x16: {  	[tilespmem:s3], [sflag:$0x2] =	stream.linear.gather [hbm4b:s6+s3], $0x2780, $0x38;
	[tilespmem:$0x1D000] =	vst v63  }
0x17: {  	_ =	swait.ge [sflag:s14], $0x2780  }
0x18: {  	[sflag:s14] =	ssyncset.done $0x0  }
0x19: {  	[sflag:s14] =	ssyncadd.s32 $0xFFFFD880  }
0x1a: {  	[tilespmem:s15], [sflag:$0x2] =	stream.linear.gather [hbm4b:s7+s3], $0x2780, $0x38;
	[tilespmem:$0x1D000] =	vst v63  }
0x1b: {  	_ =	swait.ge [sflag:s14], $0x2780  }
0x1c: {  	[sflag:s14] =	ssyncset.done $0x0  }
0x1d: {  	[sflag:s14] =	ssyncadd.s32 $0xFFFFD880  }
0x1e: {  	[tilespmem:s16], [sflag:$0x2] =	stream.linear.gather [hbm4b:s5+s3], $0x4000, $0x38;
	[tilespmem:$0x1D000] =	vst v63  }
0x1f: {  	_ =	swait.ge [sflag:s14], $0x4000  }
0x20: {  	[sflag:s14] =	ssyncset.done $0x0  }
0x21: {  	[sflag:s14] =	ssyncadd.s32 $0xFFFFC000  }
0x22: {  	[spmem:s8] =	stream.linear.scatter [tilespmem:s16], [sflag:$0x2], $0x4000, $0x38;
	[tilespmem:$0x1D000] =	vst v63  }
0x23: {  	_ =	swait.ge [sflag:s14], $0x4000  }
0x24: {  	[sflag:s14] =	ssyncset.done $0x0  }
0x25: {  	[sflag:s14] =	ssyncadd.s32 $0xFFFFC000  }
0x26: {  	[spmem:s9] =	stream.linear.scatter [tilespmem:s16], [sflag:$0x2], $0x4000, $0x38;
	[tilespmem:$0x1D000] =	vst v63  }
0x27: {  	_ =	swait.ge [sflag:s14], $0x4000  }
0x28: {  	[sflag:s14] =	ssyncset.done $0x0  }
0x29: {  	[sflag:s14] =	ssyncadd.s32 $0xFFFFC000  }
0x2a: {  	[spmem:s10] =	stream.linear.scatter [tilespmem:s16], [sflag:$0x2], $0x4000, $0x38;
	[tilespmem:$0x1D000] =	vst v63  }
0x2b: {  	_ =	swait.ge [sflag:s14], $0x4000  }
0x2c: {  	[sflag:s14] =	ssyncset.done $0x0  }
0x2d: {  	[sflag:s14] =	ssyncadd.s32 $0xFFFFC000  }
0x2e: {  	[spmem:s11] =	stream.linear.scatter [tilespmem:s16], [sflag:$0x2], $0x4000, $0x38;
	[tilespmem:$0x1D000] =	vst v63  }
0x2f: {  	_ =	swait.ge [sflag:s14], $0x4000  }
0x30: {  	[sflag:s14] =	ssyncset.done $0x0  }
0x31: {  	[sflag:s14] =	ssyncadd.s32 $0xFFFFC000  }
0x32: {  	[spmem:s12] =	stream.linear.scatter [tilespmem:s16], [sflag:$0x2], $0x4000, $0x38;
	[tilespmem:$0x1D000] =	vst v63  }
0x33: {  	_ =	swait.ge [sflag:s14], $0x4000  }
0x34: {  	[sflag:s14] =	ssyncset.done $0x0  }
0x35: {  	[sflag:s14] =	ssyncadd.s32 $0xFFFFC000  }
0x36: {  	s25 =	simm.s32 $0x0;
	[bflag:$0x0] =	sbarrier.arrive $0xFFFF  }
0x37: {  	[tilespmem:s16], [sflag:$0x1] =	stream.indirect.gather [hbm4b:s4+s17], $0x80, s25, s17, $0xb8;
	[tilespmem:$0x1D000] =	vst v63  }
0x38: {  	_ =	swait.ge [sflag:s18], $0x4000  }
0x39: {  	[sflag:s18] =	ssyncset.done $0x0  }
0x3a: {  	s31 =	simm.s32 $0x2800;
	[sflag:s18] =	ssyncadd.s32 $0xFFFFC000  }
0x3b: {  	[spmem:s1] =	stream.indirect.scatter.add.f32 [tilespmem:s16], [sflag:$0x2], $0x80, s31, s17, $0xb8;
	[tilespmem:$0x1D000] =	vst v63  }
0x3c: {  	_ =	swait.ge [sflag:s14], $0x4000  }
0x3d: {  	s26 =	simm.s32 $0x400;
	s25 =	simm.s32 $0x200;
	[sflag:s14] =	ssyncset.done $0x0  }
.LBB2_2:
0x3e: {  	s28 =	sshra.s32 s25, $0x2  }
0x3f: {  	[sflag:s14] =	ssyncadd.s32 $0xFFFFC000;
	s25 =	smov.u32 s26;
	s29 =	sadd.s32 $0x200, s26  }
0x40: {  	[tilespmem:s16], [sflag:$0x1] =	stream.indirect.gather [hbm4b:s4+s17], $0x80, s28, s17, $0xb8;
	[tilespmem:$0x1D000] =	vst v63  }
0x41: {  	p0 =	sne.s32 s26, $0x9C00;
	_ =	swait.ge [sflag:s18], $0x4000  }
.Ltmp0:
0x42: {  	[sflag:s18] =	ssyncset.done $0x0;
	(pc) =	sbr.rel @p0 .LBB2_2-.Ltmp0, $4  }
0x43: {  	s26 =	sadd.s32 $0x2800, s28;
	[sflag:s18] =	ssyncadd.s32 $0xFFFFC000  }
0x44: {  	[spmem:s1] =	stream.indirect.scatter.add.f32 [tilespmem:s16], [sflag:$0x2], $0x80, s26, s17, $0xb8;
	[tilespmem:$0x1D000] =	vst v63  }
0x45: {  	_ =	swait.ge [sflag:s14], $0x4000  }
0x46: {  	s26 =	smov.u32 s29;
	[sflag:s14] =	ssyncset.done $0x0  }
0x47: {  	s25 =	sshra.s32 s25, $0x2;
	[sflag:s14] =	ssyncadd.s32 $0xFFFFC000  }
0x48: {  	[tilespmem:s16], [sflag:$0x1] =	stream.indirect.gather [hbm4b:s4+s17], $0x80, s25, s17, $0xb8;
	[tilespmem:$0x1D000] =	vst v63  }
0x49: {  	_ =	swait.ge [sflag:s18], $0x4000  }
0x4a: {  	[sflag:s18] =	ssyncset.done $0x0  }
0x4b: {  	s25 =	sadd.s32 $0x2800, s25;
	[sflag:s18] =	ssyncadd.s32 $0xFFFFC000  }
0x4c: {  	[spmem:s1] =	stream.indirect.scatter.add.f32 [tilespmem:s16], [sflag:$0x2], $0x80, s25, s17, $0xb8;
	[tilespmem:$0x1D000] =	vst v63  }
0x4d: {  	_ =	swait.ge [sflag:s14], $0x4000  }
0x4e: {  	[sflag:s14] =	ssyncset.done $0x0  }
0x4f: {  	[sflag:s14] =	ssyncadd.s32 $0xFFFFC000  }
0x50: {  	[bflag:$0x0] =	sbarrier.arrive $0xFFFF  }
0x51: {  	[tilespmem:s16], [sflag:$0x2] =	stream.linear.gather [spmem:s8], $0x4000, $0x38;
	[tilespmem:$0x1D000] =	vst v63  }
0x52: {  	_ =	swait.ge [sflag:s14], $0x4000  }
0x53: {  	[sflag:s14] =	ssyncset.done $0x0  }
0x54: {  	[sflag:s14] =	ssyncadd.s32 $0xFFFFC000  }
0x55: {  	[hbm4b:s19+s3] =	stream.linear.scatter [tilespmem:s16], [sflag:$0x2], $0x4000, $0x38;
	[tilespmem:$0x1D000] =	vst v63  }
0x56: {  	_ =	swait.ge [sflag:s14], $0x4000  }
0x57: {  	[sflag:s14] =	ssyncset.done $0x0  }
0x58: {  	[sflag:s14] =	ssyncadd.s32 $0xFFFFC000  }
0x59: {  	[tilespmem:s16], [sflag:$0x2] =	stream.linear.gather [spmem:s9], $0x4000, $0x38;
	[tilespmem:$0x1D000] =	vst v63  }
0x5a: {  	_ =	swait.ge [sflag:s14], $0x4000  }
0x5b: {  	[sflag:s14] =	ssyncset.done $0x0  }
0x5c: {  	[sflag:s14] =	ssyncadd.s32 $0xFFFFC000  }
0x5d: {  	[hbm4b:s20+s3] =	stream.linear.scatter [tilespmem:s16], [sflag:$0x2], $0x4000, $0x38;
	[tilespmem:$0x1D000] =	vst v63  }
0x5e: {  	_ =	swait.ge [sflag:s14], $0x4000  }
0x5f: {  	[sflag:s14] =	ssyncset.done $0x0  }
0x60: {  	[sflag:s14] =	ssyncadd.s32 $0xFFFFC000  }
0x61: {  	[tilespmem:s16], [sflag:$0x2] =	stream.linear.gather [spmem:s10], $0x4000, $0x38;
	[tilespmem:$0x1D000] =	vst v63  }
0x62: {  	_ =	swait.ge [sflag:s14], $0x4000  }
0x63: {  	[sflag:s14] =	ssyncset.done $0x0  }
0x64: {  	[sflag:s14] =	ssyncadd.s32 $0xFFFFC000  }
0x65: {  	[hbm4b:s21+s3] =	stream.linear.scatter [tilespmem:s16], [sflag:$0x2], $0x4000, $0x38;
	[tilespmem:$0x1D000] =	vst v63  }
0x66: {  	_ =	swait.ge [sflag:s14], $0x4000  }
0x67: {  	[sflag:s14] =	ssyncset.done $0x0  }
0x68: {  	[sflag:s14] =	ssyncadd.s32 $0xFFFFC000  }
0x69: {  	[tilespmem:s16], [sflag:$0x2] =	stream.linear.gather [spmem:s11], $0x4000, $0x38;
	[tilespmem:$0x1D000] =	vst v63  }
0x6a: {  	_ =	swait.ge [sflag:s14], $0x4000  }
0x6b: {  	[sflag:s14] =	ssyncset.done $0x0  }
0x6c: {  	[sflag:s14] =	ssyncadd.s32 $0xFFFFC000  }
0x6d: {  	[hbm4b:s22+s3] =	stream.linear.scatter [tilespmem:s16], [sflag:$0x2], $0x4000, $0x38;
	[tilespmem:$0x1D000] =	vst v63  }
0x6e: {  	_ =	swait.ge [sflag:s14], $0x4000  }
0x6f: {  	[sflag:s14] =	ssyncset.done $0x0  }
0x70: {  	[sflag:s14] =	ssyncadd.s32 $0xFFFFC000  }
0x71: {  	[tilespmem:s16], [sflag:$0x2] =	stream.linear.gather [spmem:s12], $0x4000, $0x38;
	[tilespmem:$0x1D000] =	vst v63  }
0x72: {  	s24 =	sadd.s32 $0x1, s24;
	_ =	swait.ge [sflag:s14], $0x4000  }
0x73: {  	p0 =	sne.s32 s24, s13;
	[sflag:s14] =	ssyncset.done $0x0  }
.Ltmp1:
0x74: {  	[sflag:s14] =	ssyncadd.s32 $0xFFFFC000;
	(pc) =	sbr.rel @p0 .LBB2_1-.Ltmp1, $4  }
0x75: {  	[hbm4b:s23+s3] =	stream.linear.scatter [tilespmem:s16], [sflag:$0x2], $0x4000, $0x38;
	[tilespmem:$0x1D000] =	vst v63  }
0x76: {  	_ =	swait.ge [sflag:s14], $0x4000  }
0x77: {  	[sflag:s14] =	ssyncset.done $0x0  }
0x78: {  	[sflag:s14] =	ssyncadd.s32 $0xFFFFC000  }
0x79: {  	_ =	sfence.sel $0x180000  }
0x7a: {  	[bflag:$0x0] =	sbarrier.arrive $0xFFFF  }
0x7b: {  	p0 =	sne.s32 s2, $0x0;
	_ =	strace $0x9000004A  }
0x7c: {  	s0 =	sadd.s32 @!p0 $0x100000, s0;
	[bflag:$0x2] =	sbarrier.arrive $0xFFFF  }
0x7d: {  	[sflag:s0] =	ssyncadd.tile.s32 @!p0 $0x1;
	_ =	shalt  }
.Lfunc_end2:
_tile_overlayer_lowered:
.L_overlay_start_2:
0x7e: {  	(tag) =	ssettag $0x2  }
0x7f: {  	s0 =	rddreg [dreg:$0x0];
	s2 =	stileid.u32  }
0x80: {  	s1 =	rddreg [dreg:$0x1];
	p0 =	sne.s32 s2, $0x0  }
0x81: {  	s3 =	rddreg [dreg:$0x2];
	[bflag:$0x3] =	sbarrier.arrive $0xFFFF;
	s2 =	simm.s32 @!p0 $0x1C02  }
0x82: {  	[timem:s3], [sflag:s2] =	dma.local @!p0 [hbm:s0], s1  }
0x83: {  	s0 =	simm.s32 @!p0 $0x2  }
0x84: {  	_ =	swait.ge @!p0 [sflag:s0], s1  }
0x85: {  	s1 =	ssub.s32 @!p0 $0x0, s1;
	[sflag:s0] =	ssyncset.done @!p0 $0x0  }
0x86: {  	[sflag:s0] =	ssyncadd.s32 @!p0 s1  }
0x87: {  	[bflag:$0x3] =	sbarrier.arrive $0xFFFF  }
0x88: {  	_ =	shalt  }

</sc_bundles>
